<compile_context>
chip_gen: v7x
topology: tpu7x:2x2x1
jax: 0.10.2.dev20260603
libtpu: 0.0.44.dev20260713+nightly
codegen_flags: <defaults>
</compile_context>

<pallas_src>
import functools

import jax
import jax.numpy as jnp
from jax import lax
from jax.experimental import pallas as pl
from jax.experimental.pallas import tpu as pltpu
from jax.experimental.pallas import tpu_sc as plsc

N_NODES = 10000
DEG_W = 16
N_PAD = 10240
NC, NS = 2, 16
NW = NC * NS
EB = 512
RPT = N_PAD // NS
BR = 2560
GR = N_PAD // BR
PREC = lax.Precision.HIGHEST


def _sc_mesh():
    return plsc.VectorSubcoreMesh(
        core_axis_name="c", subcore_axis_name="s",
        num_cores=NC, num_subcores=NS)


def _worker_span(w, nb_tot, cp, align=1):
    q, r = divmod(nb_tot, NW)
    nb = q + jnp.where(w < r, 1, 0)
    off = w * q + jnp.minimum(w, r)
    if align == 1:
        copyoff = jnp.minimum(off, nb_tot - cp)
    else:
        pad8 = -(-nb_tot // align) * align
        copyoff = jnp.minimum(
            pl.multiple_of((off // align) * align, align), pad8 - cp)
    return nb, off - copyoff, copyoff


def _deg_window(nb_tot):
    q = nb_tot // NW
    return -(-(q + 9) // 8) * 8


def _make_deg(nb_tot, cp):
    @functools.partial(
        pl.kernel,
        out_type=jax.ShapeDtypeStruct((NC, N_PAD, DEG_W), jnp.float32),
        mesh=_sc_mesh(),
        compiler_params=pltpu.CompilerParams(use_tc_tiling_on_sc=False),
        scratch_types=[
            pltpu.VMEM((cp, EB), jnp.int32),
            pltpu.VMEM((EB, DEG_W), jnp.float32),
            pltpu.VMEM_SHARED((N_PAD, DEG_W), jnp.float32),
        ],
    )
    def deg_k(ei_hbm, ones_hbm, zeros_hbm, out_hbm, dst_v, ones_v, acc_sh):
        cid = lax.axis_index("c")
        sid = lax.axis_index("s")
        w = cid * NS + sid
        nb, base, copyoff = _worker_span(w, nb_tot, cp)
        pltpu.sync_copy(ei_hbm.at[1, pl.ds(copyoff, cp)], dst_v)
        pltpu.sync_copy(ones_hbm, ones_v)
        pltpu.sync_copy(zeros_hbm, acc_sh.at[pl.ds(sid * RPT, RPT)])
        plsc.subcore_barrier()

        def body(j, carry):
            pltpu.sync_copy(ones_v, acc_sh.at[dst_v.at[base + j]], add=True)
            return carry

        lax.fori_loop(0, nb, body, 0)
        plsc.subcore_barrier()
        pltpu.sync_copy(acc_sh.at[pl.ds(sid * RPT, RPT)],
                        out_hbm.at[cid, pl.ds(sid * RPT, RPT)])

    return deg_k


def _make_agg(d_feat, nb_tot, cp, nbuf):
    @functools.partial(
        pl.kernel,
        out_type=jax.ShapeDtypeStruct((NC, N_PAD, d_feat), jnp.float32),
        mesh=_sc_mesh(),
        compiler_params=pltpu.CompilerParams(use_tc_tiling_on_sc=False),
        scratch_types=[
            pltpu.VMEM((cp, EB), jnp.int32),
            pltpu.VMEM((cp, EB), jnp.int32),
        ] + [pltpu.VMEM((EB, d_feat), jnp.float32)] * nbuf + [
            pltpu.VMEM_SHARED((N_PAD, d_feat), jnp.float32),
        ] + [pltpu.SemaphoreType.DMA] * (2 * nbuf),
    )
    def agg_k(g_hbm, ei_hbm, zeros_hbm, out_hbm, src_v, dst_v, *scr):
        bufs = scr[:nbuf]
        acc_sh = scr[nbuf]
        gsems = scr[nbuf + 1:2 * nbuf + 1]
        ssems = scr[2 * nbuf + 1:]
        cid = lax.axis_index("c")
        sid = lax.axis_index("s")
        w = cid * NS + sid
        nb, base, copyoff = _worker_span(w, nb_tot, cp)
        pltpu.sync_copy(ei_hbm.at[0, pl.ds(copyoff, cp)], src_v)
        pltpu.sync_copy(ei_hbm.at[1, pl.ds(copyoff, cp)], dst_v)
        pltpu.sync_copy(zeros_hbm, acc_sh.at[pl.ds(sid * RPT, RPT)])
        plsc.subcore_barrier()

        for i in range(nbuf - 1):
            @pl.when(nb > i)
            def _(i=i):
                pltpu.async_copy(g_hbm.at[src_v.at[base + i]],
                                 bufs[i], gsems[i])

        def stage(j, k):
            km1 = (k - 1) % nbuf
            pltpu.make_async_copy(g_hbm.at[src_v.at[base + j]], bufs[k],
                                  gsems[k]).wait()

            @pl.when(j >= 1)
            def _():
                pltpu.make_async_copy(
                    bufs[km1], acc_sh.at[dst_v.at[base + j - 1]],
                    ssems[km1]).wait()

            pltpu.async_copy(bufs[k], acc_sh.at[dst_v.at[base + j]],
                             ssems[k], add=True)

            @pl.when(j + nbuf - 1 < nb)
            def _():
                pltpu.async_copy(g_hbm.at[src_v.at[base + j + nbuf - 1]],
                                 bufs[km1], gsems[km1])

        def body(j, carry):
            for k in range(nbuf):
                @pl.when(j % nbuf == k)
                def _(k=k):
                    stage(j, k)

            return carry

        lax.fori_loop(0, nb, body, 0)

        @pl.when(nb > 0)
        def _():
            last = nb - 1
            for kk in range(nbuf):
                @pl.when(last % nbuf == kk)
                def _(kk=kk):
                    pltpu.make_async_copy(
                        bufs[kk], acc_sh.at[dst_v.at[base + last]],
                        ssems[kk]).wait()

        plsc.subcore_barrier()
        pltpu.sync_copy(acc_sh.at[pl.ds(sid * RPT, RPT)],
                        out_hbm.at[cid, pl.ds(sid * RPT, RPT)])

    return agg_k


def _tc_matmul(x, w1):
    n, d_in = x.shape
    d_out = w1.shape[1]

    def body(x_ref, w_ref, h_ref):
        h_ref[...] = jnp.dot(x_ref[...], w_ref[...],
                             preferred_element_type=jnp.float32,
                             precision=PREC)

    return pl.pallas_call(
        body,
        grid=(GR,),
        in_specs=[
            pl.BlockSpec((BR, d_in), lambda i: (i, 0)),
            pl.BlockSpec((d_in, d_out), lambda i: (0, 0)),
        ],
        out_specs=pl.BlockSpec((BR, d_out), lambda i: (i, 0)),
        out_shape=jax.ShapeDtypeStruct((n, d_out), jnp.float32),
    )(x, w1)


def _tc_scale(deg2, h):
    n, d_out = h.shape

    def body(deg_ref, h_ref, dinv_ref, g_ref):
        deg = deg_ref[0, :, 0:1] + deg_ref[1, :, 0:1] + 1.0
        dinv = lax.rsqrt(deg)
        dinv_ref[...] = dinv
        g_ref[...] = h_ref[...] * dinv

    return pl.pallas_call(
        body,
        grid=(GR,),
        in_specs=[
            pl.BlockSpec((NC, BR, DEG_W), lambda i: (0, i, 0)),
            pl.BlockSpec((BR, d_out), lambda i: (i, 0)),
        ],
        out_specs=(
            pl.BlockSpec((BR, 1), lambda i: (i, 0)),
            pl.BlockSpec((BR, d_out), lambda i: (i, 0)),
        ),
        out_shape=(
            jax.ShapeDtypeStruct((n, 1), jnp.float32),
            jax.ShapeDtypeStruct((n, d_out), jnp.float32),
        ),
    )(deg2, h)


def _tc_mid(agg2, h1, dinv, b1, w2):
    n, d1 = h1.shape
    d2 = w2.shape[1]

    def body(agg_ref, h1_ref, dinv_ref, b1_ref, w2_ref, h2_ref, g2_ref):
        dinv_v = dinv_ref[...]
        pre = (dinv_v * (agg_ref[0] + agg_ref[1])
               + (dinv_v * dinv_v) * h1_ref[...] + b1_ref[...])
        out1 = jnp.maximum(pre, 0.0)
        h2 = jnp.dot(out1, w2_ref[...], preferred_element_type=jnp.float32,
                     precision=PREC)
        h2_ref[...] = h2
        g2_ref[...] = h2 * dinv_v

    return pl.pallas_call(
        body,
        grid=(GR,),
        in_specs=[
            pl.BlockSpec((NC, BR, d1), lambda i: (0, i, 0)),
            pl.BlockSpec((BR, d1), lambda i: (i, 0)),
            pl.BlockSpec((BR, 1), lambda i: (i, 0)),
            pl.BlockSpec((1, d1), lambda i: (0, 0)),
            pl.BlockSpec((d1, d2), lambda i: (0, 0)),
        ],
        out_specs=(
            pl.BlockSpec((BR, d2), lambda i: (i, 0)),
            pl.BlockSpec((BR, d2), lambda i: (i, 0)),
        ),
        out_shape=(
            jax.ShapeDtypeStruct((n, d2), jnp.float32),
            jax.ShapeDtypeStruct((n, d2), jnp.float32),
        ),
    )(agg2, h1, dinv, b1, w2)


def _tc_final(agg2, h2, dinv, b2, fc_w, fc_b):
    n, d2 = h2.shape

    def body(agg_ref, h2_ref, dinv_ref, b2_ref, fcw_ref, fcb_ref, out_ref,
             pool_ref):
        i = pl.program_id(0)
        dinv_v = dinv_ref[...]
        pre = (dinv_v * (agg_ref[0] + agg_ref[1])
               + (dinv_v * dinv_v) * h2_ref[...] + b2_ref[...])
        out2 = jnp.maximum(pre, 0.0)
        row = i * BR + lax.broadcasted_iota(jnp.int32, (BR, d2), 0)
        out2 = jnp.where(row < n, out2, 0.0)
        part = jnp.sum(out2, axis=0, keepdims=True)

        @pl.when(i == 0)
        def _():
            pool_ref[...] = part

        @pl.when(i > 0)
        def _():
            pool_ref[...] = pool_ref[...] + part

        @pl.when(i == GR - 1)
        def _():
            pooled = pool_ref[...] * (1.0 / n)
            val = jnp.dot(pooled, fcw_ref[...],
                          preferred_element_type=jnp.float32, precision=PREC)
            out_ref[...] = val + fcb_ref[...]

    return pl.pallas_call(
        body,
        grid=(GR,),
        in_specs=[
            pl.BlockSpec((NC, BR, d2), lambda i: (0, i, 0)),
            pl.BlockSpec((BR, d2), lambda i: (i, 0)),
            pl.BlockSpec((BR, 1), lambda i: (i, 0)),
            pl.BlockSpec((1, d2), lambda i: (0, 0)),
            pl.BlockSpec((d2, 1), lambda i: (0, 0)),
            pl.BlockSpec((1, 1), lambda i: (0, 0)),
        ],
        out_specs=pl.BlockSpec((1, 1), lambda i: (0, 0)),
        out_shape=jax.ShapeDtypeStruct((1, 1), jnp.float32),
        scratch_shapes=[pltpu.VMEM((1, d2), jnp.float32)],
    )(agg2, h2, dinv, b2, fc_w, fc_b)


def kernel(x, edge_index, W1, b1, W2, b2, fc_W, fc_b):
    n_edges = edge_index.shape[1]
    e_pad = ((n_edges + EB - 1) // EB) * EB
    if e_pad != n_edges:
        fill = jnp.array([[0], [N_PAD - 1]], jnp.int32)
        pad = jnp.broadcast_to(fill, (2, e_pad - n_edges))
        edge_index = jnp.concatenate([edge_index, pad], axis=1)
    nb_tot = e_pad // EB
    cp = nb_tot // NW + (1 if nb_tot % NW else 0)
    ei = edge_index.reshape(2, nb_tot, EB)

    ones_row = jnp.ones((EB, DEG_W), jnp.float32)
    zeros_deg = jnp.zeros((RPT, DEG_W), jnp.float32)

    deg2 = _make_deg(nb_tot, cp)(ei, ones_row, zeros_deg)
    h1 = _tc_matmul(x, W1)
    dinv, g1 = _tc_scale(deg2, h1)

    d1 = W1.shape[1]
    zeros1 = jnp.zeros((RPT, d1), jnp.float32)
    agg1 = _make_agg(d1, nb_tot, cp, 2)(g1, ei, zeros1)
    h2, g2 = _tc_mid(agg1, h1, dinv, b1.reshape(1, d1), W2)

    d2 = W2.shape[1]
    zeros2 = jnp.zeros((RPT, d2), jnp.float32)
    agg2 = _make_agg(d2, nb_tot, cp, 3)(g2, ei, zeros2)
    out = _tc_final(agg2, h2, dinv, b2.reshape(1, d2), fc_W,
                    fc_b.reshape(1, 1))
    return out.reshape(1)

# --- scband reference (transcript-rebuilt; emitter-appended) ---
"""Pipeline reference for scband-rel-graph-net-10093173146053 (READ-ONLY COPY).

The authoritative reference and input builder live on the scoring server;
editing this copy changes nothing except your own understanding.
"""

import jax, jax.numpy as jnp
import numpy as np

N = 10000
E = 320000
D_IN = 128
D_H1 = 64
D_H2 = 32


def gcn_conv(x, edge_index, W, b):
    # PyG-style GCNConv: add self loops, symmetric normalization, linear transform,
    # scatter-add aggregation from source to destination, then bias.
    n = x.shape[0]
    src = edge_index[0]
    dst = edge_index[1]
    loop = jnp.arange(n, dtype=src.dtype)
    src = jnp.concatenate([src, loop])
    dst = jnp.concatenate([dst, loop])
    ones = jnp.ones(src.shape[0], dtype=x.dtype)
    deg = jax.ops.segment_sum(ones, dst, num_segments=n)
    dinv = jnp.where(deg > 0, jax.lax.rsqrt(jnp.maximum(deg, 1e-12)), 0.0)
    norm = dinv[src] * dinv[dst]
    h = x @ W
    msg = h[src] * norm[:, None]
    out = jax.ops.segment_sum(msg, dst, num_segments=n)
    return out + b


def setup_inputs(seed: int = 0):
    key = jax.random.key(seed)
    ks = jax.random.split(key, 8)
    x = jax.random.normal(ks[0], (N, D_IN), dtype=jnp.float32)
    edge_index = jax.random.randint(ks[1], (2, E), 0, N, dtype=jnp.int32)
    W1 = jax.random.normal(ks[2], (D_IN, D_H1), dtype=jnp.float32) * (1.0 / np.sqrt(D_IN))
    b1 = jnp.zeros((D_H1,), dtype=jnp.float32)
    W2 = jax.random.normal(ks[3], (D_H1, D_H2), dtype=jnp.float32) * (1.0 / np.sqrt(D_H1))
    b2 = jnp.zeros((D_H2,), dtype=jnp.float32)
    fc_W = jax.random.normal(ks[4], (D_H2, 1), dtype=jnp.float32) * (1.0 / np.sqrt(D_H2))
    fc_b = jnp.zeros((1,), dtype=jnp.float32)
    return {"x": x, "edge_index": edge_index, "W1": W1, "b1": b1, "W2": W2, "b2": b2, "fc_W": fc_W, "fc_b": fc_b}


def reference(x, edge_index, W1, b1, W2, b2, fc_W, fc_b):
    h = jax.nn.relu(gcn_conv(x, edge_index, W1, b1))
    h = jax.nn.relu(gcn_conv(h, edge_index, W2, b2))
    pooled = h.mean(axis=0)
    out = pooled @ fc_W + fc_b
    return out

if __name__ == "__main__":
    import jax
    _d = setup_inputs()
    print(jax.jit(kernel)(*tuple(_d.values())))

</pallas_src>

<mosaic_0001>
#map = affine_map<(d0, d1) -> (0, 0, 0)>
#map1 = affine_map<(d0, d1) -> (0, 0)>
module attributes {stable_mosaic.version = 14 : i64} {
  func.func @deg_k(%arg0: i32, %arg1: i32, %arg2: memref<2x625x512xi32, #tpu.memory_space<hbm>>, %arg3: memref<512x16xf32, #tpu.memory_space<hbm>>, %arg4: memref<640x16xf32, #tpu.memory_space<hbm>>, %arg5: memref<2x10240x16xf32, #tpu.memory_space<hbm>>, %arg6: memref<20x512xi32, #tpu.memory_space<vmem>>, %arg7: memref<512x16xf32, #tpu.memory_space<vmem>>, %arg8: memref<10240x16xf32, #tpu.memory_space<vmem_shared>>) attributes {dimension_semantics = [#tpu.dimension_semantics<core_parallel>, #tpu.dimension_semantics<subcore_parallel>], iteration_bounds = array<i64: 2, 16>, scalar_prefetch = 0 : i64, scratch_operands = 3 : i64, tpu.core_type = #tpu.core_type<sc_vector_subcore>, window_params = [{transform_indices = #map}, {transform_indices = #map1}, {transform_indices = #map1}, {transform_indices = #map}]} {
    %mul3A = arith.constant 16 : i32
    %mul3A_0 = arith.muli %arg0, %mul3A : i32
    %add3A = arith.addi %mul3A_0, %arg1 : i32
    %lt3A = arith.constant 17 : i32
    %lt3A_1 = arith.cmpi slt, %add3A, %lt3A : i32
    %jit3A = arith.constant 1 : i32
    %jit3A_2 = arith.constant 0 : i32
    %select_n3A = arith.select %lt3A_1, %jit3A, %jit3A_2 : i32
    %add3A_3 = arith.constant 19 : i32
    %add3A_4 = arith.addi %add3A_3, %select_n3A : i32
    %mul3A_5 = arith.constant 19 : i32
    %mul3A_6 = arith.muli %add3A, %mul3A_5 : i32
    %min3A = arith.constant 17 : i32
    %min3A_7 = arith.minsi %add3A, %min3A : i32
    %add3A_8 = arith.addi %mul3A_6, %min3A_7 : i32
    %min3A_9 = arith.constant 605 : i32
    %min3A_10 = arith.minsi %add3A_8, %min3A_9 : i32
    %sub3A = arith.subi %add3A_8, %min3A_10 : i32
    %run_scoped3A = arith.constant 1 : i32
    "tpu.region"() ({
      %run_scoped3A_27 = tpu.sem_alloc : memref<!tpu.dma_semaphore, #tpu.memory_space<semaphore_mem>>
      %dma_start3A = arith.constant 0 : i32
      %dma_start3A_28 = tpu.memref_slice %arg2[%run_scoped3A, %min3A_10, %dma_start3A] : memref<2x625x512xi32, #tpu.memory_space<hbm>> -> memref<1x20x512xi32, #tpu.memory_space<hbm>>
      %dma_start3A_29 = tpu.memref_squeeze %dma_start3A_28 : memref<1x20x512xi32, #tpu.memory_space<hbm>> -> memref<20x512xi32, #tpu.memory_space<hbm>>
      %dma_start3A_30 = arith.constant 0 : i32
      %dma_start3A_31 = tpu.memref_slice %arg2[%run_scoped3A, %min3A_10, %dma_start3A_30] : memref<2x625x512xi32, #tpu.memory_space<hbm>> -> memref<1x20x512xi32, #tpu.memory_space<hbm>>
      %dma_start3A_32 = tpu.memref_squeeze %dma_start3A_31 : memref<1x20x512xi32, #tpu.memory_space<hbm>> -> memref<20x512xi32, #tpu.memory_space<hbm>>
      tpu.enqueue_dma source(%dma_start3A_32 : memref<20x512xi32, #tpu.memory_space<hbm>>) target(%arg6 : memref<20x512xi32, #tpu.memory_space<vmem>>) target_semaphore(%run_scoped3A_27 : memref<!tpu.dma_semaphore, #tpu.memory_space<semaphore_mem>>)
      %dma_wait3A = arith.constant 0 : i32
      %dma_wait3A_33 = tpu.memref_slice %arg2[%run_scoped3A, %min3A_10, %dma_wait3A] : memref<2x625x512xi32, #tpu.memory_space<hbm>> -> memref<1x20x512xi32, #tpu.memory_space<hbm>>
      %dma_wait3A_34 = tpu.memref_squeeze %dma_wait3A_33 : memref<1x20x512xi32, #tpu.memory_space<hbm>> -> memref<20x512xi32, #tpu.memory_space<hbm>>
      %dma_wait3A_35 = arith.constant 0 : i32
      %dma_wait3A_36 = tpu.memref_slice %arg2[%run_scoped3A, %min3A_10, %dma_wait3A_35] : memref<2x625x512xi32, #tpu.memory_space<hbm>> -> memref<1x20x512xi32, #tpu.memory_space<hbm>>
      %dma_wait3A_37 = tpu.memref_squeeze %dma_wait3A_36 : memref<1x20x512xi32, #tpu.memory_space<hbm>> -> memref<20x512xi32, #tpu.memory_space<hbm>>
      tpu.wait_dma2 semaphore(%run_scoped3A_27 : memref<!tpu.dma_semaphore, #tpu.memory_space<semaphore_mem>>) src(%dma_wait3A_37 : memref<20x512xi32, #tpu.memory_space<hbm>>) dst(%arg6 : memref<20x512xi32, #tpu.memory_space<vmem>>)
      tpu.yield
    }) : () -> ()
    "tpu.region"() ({
      %run_scoped3A_27 = tpu.sem_alloc : memref<!tpu.dma_semaphore, #tpu.memory_space<semaphore_mem>>
      tpu.enqueue_dma source(%arg3 : memref<512x16xf32, #tpu.memory_space<hbm>>) target(%arg7 : memref<512x16xf32, #tpu.memory_space<vmem>>) target_semaphore(%run_scoped3A_27 : memref<!tpu.dma_semaphore, #tpu.memory_space<semaphore_mem>>)
      tpu.wait_dma2 semaphore(%run_scoped3A_27 : memref<!tpu.dma_semaphore, #tpu.memory_space<semaphore_mem>>) src(%arg3 : memref<512x16xf32, #tpu.memory_space<hbm>>) dst(%arg7 : memref<512x16xf32, #tpu.memory_space<vmem>>)
      tpu.yield
    }) : () -> ()
    %mul3A_11 = arith.constant 640 : i32
    %mul3A_12 = arith.muli %arg1, %mul3A_11 : i32
    "tpu.region"() ({
      %run_scoped3A_27 = tpu.sem_alloc : memref<!tpu.dma_semaphore, #tpu.memory_space<semaphore_mem>>
      %dma_start3A = arith.constant 0 : i32
      %dma_start3A_28 = tpu.memref_slice %arg8[%mul3A_12, %dma_start3A] : memref<10240x16xf32, #tpu.memory_space<vmem_shared>> -> memref<640x16xf32, #tpu.memory_space<vmem_shared>>
      tpu.enqueue_dma source(%arg4 : memref<640x16xf32, #tpu.memory_space<hbm>>) target(%dma_start3A_28 : memref<640x16xf32, #tpu.memory_space<vmem_shared>>) target_semaphore(%run_scoped3A_27 : memref<!tpu.dma_semaphore, #tpu.memory_space<semaphore_mem>>)
      %dma_wait3A = arith.constant 0 : i32
      %dma_wait3A_29 = tpu.memref_slice %arg8[%mul3A_12, %dma_wait3A] : memref<10240x16xf32, #tpu.memory_space<vmem_shared>> -> memref<640x16xf32, #tpu.memory_space<vmem_shared>>
      tpu.wait_dma2 semaphore(%run_scoped3A_27 : memref<!tpu.dma_semaphore, #tpu.memory_space<semaphore_mem>>) src(%arg4 : memref<640x16xf32, #tpu.memory_space<hbm>>) dst(%dma_wait3A_29 : memref<640x16xf32, #tpu.memory_space<vmem_shared>>)
      tpu.yield
    }) : () -> ()
    %barrier3A = arith.constant 0 : index
    tpu.barrier barrier_id(%barrier3A)
    %while3A = arith.constant 0 : i32
    %while3A_13 = arith.constant 0 : i32
    %while3A_14 = arith.subi %add3A_4, %while3A_13 : i32
    %while3A_15 = arith.addi %while3A_13, %while3A_14 : i32
    %while3A_16 = arith.constant 1 : i32
    %while3A_17 = arith.divsi %while3A_14, %while3A_16 : i32
    %while3A_18 = arith.muli %while3A_17, %while3A_16 : i32
    %while3A_19 = arith.addi %while3A_13, %while3A_18 : i32
    %while3A_20 = arith.constant 1 : i32
    scf.for %while3A_27 = %while3A_13 to %while3A_19 step %while3A_20  : i32 {
      %add3A_28 = arith.addi %sub3A, %while3A_27 : i32
      "tpu.region"() ({
        %run_scoped3A_29 = tpu.sem_alloc : memref<!tpu.dma_semaphore, #tpu.memory_space<semaphore_mem>>
        %dma_start3A = arith.constant 0 : i32
        %dma_start3A_30 = tpu.memref_slice %arg6[%add3A_28, %dma_start3A] : memref<20x512xi32, #tpu.memory_space<vmem>> -> memref<1x512xi32, #tpu.memory_space<vmem>>
        %dma_start3A_31 = tpu.memref_squeeze %dma_start3A_30 : memref<1x512xi32, #tpu.memory_space<vmem>> -> memref<512xi32, #tpu.memory_space<vmem>>
        %dma_start3A_32 = arith.constant 0 : i32
        %dma_start3A_33 = arith.constant 0 : i32
        %dma_start3A_34 = tpu.memref_slice %arg8[%dma_start3A_32, %dma_start3A_33] : memref<10240x16xf32, #tpu.memory_space<vmem_shared>> -> memref<10240x16xf32, #tpu.memory_space<vmem_shared>>
        tpu.enqueue_indirect_dma source(%arg7 : memref<512x16xf32, #tpu.memory_space<vmem>>) target(%dma_start3A_34 : memref<10240x16xf32, #tpu.memory_space<vmem_shared>>) offsets(%dma_start3A_31 : memref<512xi32, #tpu.memory_space<vmem>>) semaphore(%run_scoped3A_29 : memref<!tpu.dma_semaphore, #tpu.memory_space<semaphore_mem>>) {add = true}
        %dma_wait3A = arith.constant 0 : i32
        %dma_wait3A_35 = tpu.memref_slice %arg6[%add3A_28, %dma_wait3A] : memref<20x512xi32, #tpu.memory_space<vmem>> -> memref<1x512xi32, #tpu.memory_space<vmem>>
        %dma_wait3A_36 = tpu.memref_squeeze %dma_wait3A_35 : memref<1x512xi32, #tpu.memory_space<vmem>> -> memref<512xi32, #tpu.memory_space<vmem>>
        %dma_wait3A_37 = arith.constant 0 : i32
        %dma_wait3A_38 = arith.constant 0 : i32
        %dma_wait3A_39 = tpu.memref_slice %arg8[%dma_wait3A_37, %dma_wait3A_38] : memref<10240x16xf32, #tpu.memory_space<vmem_shared>> -> memref<10240x16xf32, #tpu.memory_space<vmem_shared>>
        tpu.wait_indirect_dma semaphore(%run_scoped3A_29 : memref<!tpu.dma_semaphore, #tpu.memory_space<semaphore_mem>>) src(%arg7 : memref<512x16xf32, #tpu.memory_space<vmem>>) dst(%dma_wait3A_39 : memref<10240x16xf32, #tpu.memory_space<vmem_shared>>)
        tpu.yield
      }) : () -> ()
    }
    %while3A_21 = arith.constant 1 : i32
    scf.for %while3A_27 = %while3A_19 to %while3A_15 step %while3A_21  : i32 {
      %add3A_28 = arith.addi %sub3A, %while3A_27 : i32
      "tpu.region"() ({
        %run_scoped3A_29 = tpu.sem_alloc : memref<!tpu.dma_semaphore, #tpu.memory_space<semaphore_mem>>
        %dma_start3A = arith.constant 0 : i32
        %dma_start3A_30 = tpu.memref_slice %arg6[%add3A_28, %dma_start3A] : memref<20x512xi32, #tpu.memory_space<vmem>> -> memref<1x512xi32, #tpu.memory_space<vmem>>
        %dma_start3A_31 = tpu.memref_squeeze %dma_start3A_30 : memref<1x512xi32, #tpu.memory_space<vmem>> -> memref<512xi32, #tpu.memory_space<vmem>>
        %dma_start3A_32 = arith.constant 0 : i32
        %dma_start3A_33 = arith.constant 0 : i32
        %dma_start3A_34 = tpu.memref_slice %arg8[%dma_start3A_32, %dma_start3A_33] : memref<10240x16xf32, #tpu.memory_space<vmem_shared>> -> memref<10240x16xf32, #tpu.memory_space<vmem_shared>>
        tpu.enqueue_indirect_dma source(%arg7 : memref<512x16xf32, #tpu.memory_space<vmem>>) target(%dma_start3A_34 : memref<10240x16xf32, #tpu.memory_space<vmem_shared>>) offsets(%dma_start3A_31 : memref<512xi32, #tpu.memory_space<vmem>>) semaphore(%run_scoped3A_29 : memref<!tpu.dma_semaphore, #tpu.memory_space<semaphore_mem>>) {add = true}
        %dma_wait3A = arith.constant 0 : i32
        %dma_wait3A_35 = tpu.memref_slice %arg6[%add3A_28, %dma_wait3A] : memref<20x512xi32, #tpu.memory_space<vmem>> -> memref<1x512xi32, #tpu.memory_space<vmem>>
        %dma_wait3A_36 = tpu.memref_squeeze %dma_wait3A_35 : memref<1x512xi32, #tpu.memory_space<vmem>> -> memref<512xi32, #tpu.memory_space<vmem>>
        %dma_wait3A_37 = arith.constant 0 : i32
        %dma_wait3A_38 = arith.constant 0 : i32
        %dma_wait3A_39 = tpu.memref_slice %arg8[%dma_wait3A_37, %dma_wait3A_38] : memref<10240x16xf32, #tpu.memory_space<vmem_shared>> -> memref<10240x16xf32, #tpu.memory_space<vmem_shared>>
        tpu.wait_indirect_dma semaphore(%run_scoped3A_29 : memref<!tpu.dma_semaphore, #tpu.memory_space<semaphore_mem>>) src(%arg7 : memref<512x16xf32, #tpu.memory_space<vmem>>) dst(%dma_wait3A_39 : memref<10240x16xf32, #tpu.memory_space<vmem_shared>>)
        tpu.yield
      }) : () -> ()
    }
    %barrier3A_22 = arith.constant 0 : index
    tpu.barrier barrier_id(%barrier3A_22)
    %mul3A_23 = arith.constant 640 : i32
    %mul3A_24 = arith.muli %arg1, %mul3A_23 : i32
    %mul3A_25 = arith.constant 640 : i32
    %mul3A_26 = arith.muli %arg1, %mul3A_25 : i32
    "tpu.region"() ({
      %run_scoped3A_27 = tpu.sem_alloc : memref<!tpu.dma_semaphore, #tpu.memory_space<semaphore_mem>>
      %dma_start3A = arith.constant 0 : i32
      %dma_start3A_28 = tpu.memref_slice %arg5[%arg0, %mul3A_26, %dma_start3A] : memref<2x10240x16xf32, #tpu.memory_space<hbm>> -> memref<1x640x16xf32, #tpu.memory_space<hbm>>
      %dma_start3A_29 = tpu.memref_squeeze %dma_start3A_28 : memref<1x640x16xf32, #tpu.memory_space<hbm>> -> memref<640x16xf32, #tpu.memory_space<hbm>>
      %dma_start3A_30 = arith.constant 0 : i32
      %dma_start3A_31 = tpu.memref_slice %arg8[%mul3A_24, %dma_start3A_30] : memref<10240x16xf32, #tpu.memory_space<vmem_shared>> -> memref<640x16xf32, #tpu.memory_space<vmem_shared>>
      tpu.enqueue_dma source(%dma_start3A_31 : memref<640x16xf32, #tpu.memory_space<vmem_shared>>) target(%dma_start3A_29 : memref<640x16xf32, #tpu.memory_space<hbm>>) target_semaphore(%run_scoped3A_27 : memref<!tpu.dma_semaphore, #tpu.memory_space<semaphore_mem>>)
      %dma_wait3A = arith.constant 0 : i32
      %dma_wait3A_32 = tpu.memref_slice %arg5[%arg0, %mul3A_26, %dma_wait3A] : memref<2x10240x16xf32, #tpu.memory_space<hbm>> -> memref<1x640x16xf32, #tpu.memory_space<hbm>>
      %dma_wait3A_33 = tpu.memref_squeeze %dma_wait3A_32 : memref<1x640x16xf32, #tpu.memory_space<hbm>> -> memref<640x16xf32, #tpu.memory_space<hbm>>
      %dma_wait3A_34 = arith.constant 0 : i32
      %dma_wait3A_35 = tpu.memref_slice %arg8[%mul3A_24, %dma_wait3A_34] : memref<10240x16xf32, #tpu.memory_space<vmem_shared>> -> memref<640x16xf32, #tpu.memory_space<vmem_shared>>
      tpu.wait_dma2 semaphore(%run_scoped3A_27 : memref<!tpu.dma_semaphore, #tpu.memory_space<semaphore_mem>>) src(%dma_wait3A_35 : memref<640x16xf32, #tpu.memory_space<vmem_shared>>) dst(%dma_wait3A_33 : memref<640x16xf32, #tpu.memory_space<hbm>>)
      tpu.yield
    }) : () -> ()
    return
  }
}

#map = affine_map<(d0, d1) -> (0, 0)>
#map1 = affine_map<(d0, d1) -> (0, 0, 0)>
module attributes {stable_mosaic.version = 14 : i64} {
  func.func @agg_k(%arg0: i32, %arg1: i32, %arg2: memref<10000x32xf32, #tpu.memory_space<hbm>>, %arg3: memref<2x625x512xi32, #tpu.memory_space<hbm>>, %arg4: memref<640x32xf32, #tpu.memory_space<hbm>>, %arg5: memref<2x10240x32xf32, #tpu.memory_space<hbm>>, %arg6: memref<20x512xi32, #tpu.memory_space<vmem>>, %arg7: memref<20x512xi32, #tpu.memory_space<vmem>>, %arg8: memref<512x32xf32, #tpu.memory_space<vmem>>, %arg9: memref<512x32xf32, #tpu.memory_space<vmem>>, %arg10: memref<512x32xf32, #tpu.memory_space<vmem>>, %arg11: memref<10240x32xf32, #tpu.memory_space<vmem_shared>>, %arg12: memref<!tpu.dma_semaphore, #tpu.memory_space<semaphore_mem>>, %arg13: memref<!tpu.dma_semaphore, #tpu.memory_space<semaphore_mem>>, %arg14: memref<!tpu.dma_semaphore, #tpu.memory_space<semaphore_mem>>, %arg15: memref<!tpu.dma_semaphore, #tpu.memory_space<semaphore_mem>>, %arg16: memref<!tpu.dma_semaphore, #tpu.memory_space<semaphore_mem>>, %arg17: memref<!tpu.dma_semaphore, #tpu.memory_space<semaphore_mem>>) attributes {dimension_semantics = [#tpu.dimension_semantics<core_parallel>, #tpu.dimension_semantics<subcore_parallel>], iteration_bounds = array<i64: 2, 16>, scalar_prefetch = 0 : i64, scratch_operands = 12 : i64, tpu.core_type = #tpu.core_type<sc_vector_subcore>, window_params = [{transform_indices = #map}, {transform_indices = #map1}, {transform_indices = #map}, {transform_indices = #map1}]} {
    %mul3A = arith.constant 16 : i32
    %mul3A_0 = arith.muli %arg0, %mul3A : i32
    %add3A = arith.addi %mul3A_0, %arg1 : i32
    %lt3A = arith.constant 17 : i32
    %lt3A_1 = arith.cmpi slt, %add3A, %lt3A : i32
    %jit3A = arith.constant 1 : i32
    %jit3A_2 = arith.constant 0 : i32
    %select_n3A = arith.select %lt3A_1, %jit3A, %jit3A_2 : i32
    %add3A_3 = arith.constant 19 : i32
    %add3A_4 = arith.addi %add3A_3, %select_n3A : i32
    %mul3A_5 = arith.constant 19 : i32
    %mul3A_6 = arith.muli %add3A, %mul3A_5 : i32
    %min3A = arith.constant 17 : i32
    %min3A_7 = arith.minsi %add3A, %min3A : i32
    %add3A_8 = arith.addi %mul3A_6, %min3A_7 : i32
    %min3A_9 = arith.constant 605 : i32
    %min3A_10 = arith.minsi %add3A_8, %min3A_9 : i32
    %sub3A = arith.subi %add3A_8, %min3A_10 : i32
    %run_scoped3A = arith.constant 0 : i32
    "tpu.region"() ({
      %run_scoped3A_40 = tpu.sem_alloc : memref<!tpu.dma_semaphore, #tpu.memory_space<semaphore_mem>>
      %dma_start3A = arith.constant 0 : i32
      %dma_start3A_41 = tpu.memref_slice %arg3[%run_scoped3A, %min3A_10, %dma_start3A] : memref<2x625x512xi32, #tpu.memory_space<hbm>> -> memref<1x20x512xi32, #tpu.memory_space<hbm>>
      %dma_start3A_42 = tpu.memref_squeeze %dma_start3A_41 : memref<1x20x512xi32, #tpu.memory_space<hbm>> -> memref<20x512xi32, #tpu.memory_space<hbm>>
      %dma_start3A_43 = arith.constant 0 : i32
      %dma_start3A_44 = tpu.memref_slice %arg3[%run_scoped3A, %min3A_10, %dma_start3A_43] : memref<2x625x512xi32, #tpu.memory_space<hbm>> -> memref<1x20x512xi32, #tpu.memory_space<hbm>>
      %dma_start3A_45 = tpu.memref_squeeze %dma_start3A_44 : memref<1x20x512xi32, #tpu.memory_space<hbm>> -> memref<20x512xi32, #tpu.memory_space<hbm>>
      tpu.enqueue_dma source(%dma_start3A_45 : memref<20x512xi32, #tpu.memory_space<hbm>>) target(%arg6 : memref<20x512xi32, #tpu.memory_space<vmem>>) target_semaphore(%run_scoped3A_40 : memref<!tpu.dma_semaphore, #tpu.memory_space<semaphore_mem>>)
      %dma_wait3A = arith.constant 0 : i32
      %dma_wait3A_46 = tpu.memref_slice %arg3[%run_scoped3A, %min3A_10, %dma_wait3A] : memref<2x625x512xi32, #tpu.memory_space<hbm>> -> memref<1x20x512xi32, #tpu.memory_space<hbm>>
      %dma_wait3A_47 = tpu.memref_squeeze %dma_wait3A_46 : memref<1x20x512xi32, #tpu.memory_space<hbm>> -> memref<20x512xi32, #tpu.memory_space<hbm>>
      %dma_wait3A_48 = arith.constant 0 : i32
      %dma_wait3A_49 = tpu.memref_slice %arg3[%run_scoped3A, %min3A_10, %dma_wait3A_48] : memref<2x625x512xi32, #tpu.memory_space<hbm>> -> memref<1x20x512xi32, #tpu.memory_space<hbm>>
      %dma_wait3A_50 = tpu.memref_squeeze %dma_wait3A_49 : memref<1x20x512xi32, #tpu.memory_space<hbm>> -> memref<20x512xi32, #tpu.memory_space<hbm>>
      tpu.wait_dma2 semaphore(%run_scoped3A_40 : memref<!tpu.dma_semaphore, #tpu.memory_space<semaphore_mem>>) src(%dma_wait3A_50 : memref<20x512xi32, #tpu.memory_space<hbm>>) dst(%arg6 : memref<20x512xi32, #tpu.memory_space<vmem>>)
      tpu.yield
    }) : () -> ()
    %run_scoped3A_11 = arith.constant 1 : i32
    "tpu.region"() ({
      %run_scoped3A_40 = tpu.sem_alloc : memref<!tpu.dma_semaphore, #tpu.memory_space<semaphore_mem>>
      %dma_start3A = arith.constant 0 : i32
      %dma_start3A_41 = tpu.memref_slice %arg3[%run_scoped3A_11, %min3A_10, %dma_start3A] : memref<2x625x512xi32, #tpu.memory_space<hbm>> -> memref<1x20x512xi32, #tpu.memory_space<hbm>>
      %dma_start3A_42 = tpu.memref_squeeze %dma_start3A_41 : memref<1x20x512xi32, #tpu.memory_space<hbm>> -> memref<20x512xi32, #tpu.memory_space<hbm>>
      %dma_start3A_43 = arith.constant 0 : i32
      %dma_start3A_44 = tpu.memref_slice %arg3[%run_scoped3A_11, %min3A_10, %dma_start3A_43] : memref<2x625x512xi32, #tpu.memory_space<hbm>> -> memref<1x20x512xi32, #tpu.memory_space<hbm>>
      %dma_start3A_45 = tpu.memref_squeeze %dma_start3A_44 : memref<1x20x512xi32, #tpu.memory_space<hbm>> -> memref<20x512xi32, #tpu.memory_space<hbm>>
      tpu.enqueue_dma source(%dma_start3A_45 : memref<20x512xi32, #tpu.memory_space<hbm>>) target(%arg7 : memref<20x512xi32, #tpu.memory_space<vmem>>) target_semaphore(%run_scoped3A_40 : memref<!tpu.dma_semaphore, #tpu.memory_space<semaphore_mem>>)
      %dma_wait3A = arith.constant 0 : i32
      %dma_wait3A_46 = tpu.memref_slice %arg3[%run_scoped3A_11, %min3A_10, %dma_wait3A] : memref<2x625x512xi32, #tpu.memory_space<hbm>> -> memref<1x20x512xi32, #tpu.memory_space<hbm>>
      %dma_wait3A_47 = tpu.memref_squeeze %dma_wait3A_46 : memref<1x20x512xi32, #tpu.memory_space<hbm>> -> memref<20x512xi32, #tpu.memory_space<hbm>>
      %dma_wait3A_48 = arith.constant 0 : i32
      %dma_wait3A_49 = tpu.memref_slice %arg3[%run_scoped3A_11, %min3A_10, %dma_wait3A_48] : memref<2x625x512xi32, #tpu.memory_space<hbm>> -> memref<1x20x512xi32, #tpu.memory_space<hbm>>
      %dma_wait3A_50 = tpu.memref_squeeze %dma_wait3A_49 : memref<1x20x512xi32, #tpu.memory_space<hbm>> -> memref<20x512xi32, #tpu.memory_space<hbm>>
      tpu.wait_dma2 semaphore(%run_scoped3A_40 : memref<!tpu.dma_semaphore, #tpu.memory_space<semaphore_mem>>) src(%dma_wait3A_50 : memref<20x512xi32, #tpu.memory_space<hbm>>) dst(%arg7 : memref<20x512xi32, #tpu.memory_space<vmem>>)
      tpu.yield
    }) : () -> ()
    %mul3A_12 = arith.constant 640 : i32
    %mul3A_13 = arith.muli %arg1, %mul3A_12 : i32
    "tpu.region"() ({
      %run_scoped3A_40 = tpu.sem_alloc : memref<!tpu.dma_semaphore, #tpu.memory_space<semaphore_mem>>
      %dma_start3A = arith.constant 0 : i32
      %dma_start3A_41 = tpu.memref_slice %arg11[%mul3A_13, %dma_start3A] : memref<10240x32xf32, #tpu.memory_space<vmem_shared>> -> memref<640x32xf32, #tpu.memory_space<vmem_shared>>
      tpu.enqueue_dma source(%arg4 : memref<640x32xf32, #tpu.memory_space<hbm>>) target(%dma_start3A_41 : memref<640x32xf32, #tpu.memory_space<vmem_shared>>) target_semaphore(%run_scoped3A_40 : memref<!tpu.dma_semaphore, #tpu.memory_space<semaphore_mem>>)
      %dma_wait3A = arith.constant 0 : i32
      %dma_wait3A_42 = tpu.memref_slice %arg11[%mul3A_13, %dma_wait3A] : memref<10240x32xf32, #tpu.memory_space<vmem_shared>> -> memref<640x32xf32, #tpu.memory_space<vmem_shared>>
      tpu.wait_dma2 semaphore(%run_scoped3A_40 : memref<!tpu.dma_semaphore, #tpu.memory_space<semaphore_mem>>) src(%arg4 : memref<640x32xf32, #tpu.memory_space<hbm>>) dst(%dma_wait3A_42 : memref<640x32xf32, #tpu.memory_space<vmem_shared>>)
      tpu.yield
    }) : () -> ()
    %barrier3A = arith.constant 0 : index
    tpu.barrier barrier_id(%barrier3A)
    %gt3A = arith.constant 0 : i32
    %gt3A_14 = arith.cmpi sgt, %add3A_4, %gt3A : i32
    %convert_element_type3A = arith.extui %gt3A_14 : i1 to i32
    %cond3A = arith.constant 0 : i32
    %cond3A_15 = arith.cmpi ne, %convert_element_type3A, %cond3A : i32
    scf.if %cond3A_15 {
      %add3A_40 = arith.constant 0 : i32
      %add3A_41 = arith.addi %sub3A, %add3A_40 : i32
      %dma_start3A = arith.constant 0 : i32
      %dma_start3A_42 = tpu.memref_slice %arg6[%add3A_41, %dma_start3A] : memref<20x512xi32, #tpu.memory_space<vmem>> -> memref<1x512xi32, #tpu.memory_space<vmem>>
      %dma_start3A_43 = tpu.memref_squeeze %dma_start3A_42 : memref<1x512xi32, #tpu.memory_space<vmem>> -> memref<512xi32, #tpu.memory_space<vmem>>
      %dma_start3A_44 = arith.constant 0 : i32
      %dma_start3A_45 = arith.constant 0 : i32
      %dma_start3A_46 = tpu.memref_slice %arg2[%dma_start3A_44, %dma_start3A_45] : memref<10000x32xf32, #tpu.memory_space<hbm>> -> memref<10000x32xf32, #tpu.memory_space<hbm>>
      tpu.enqueue_indirect_dma source(%dma_start3A_46 : memref<10000x32xf32, #tpu.memory_space<hbm>>) target(%arg8 : memref<512x32xf32, #tpu.memory_space<vmem>>) offsets(%dma_start3A_43 : memref<512xi32, #tpu.memory_space<vmem>>) semaphore(%arg12 : memref<!tpu.dma_semaphore, #tpu.memory_space<semaphore_mem>>)
    } else {
    }
    %gt3A_16 = arith.constant 1 : i32
    %gt3A_17 = arith.cmpi sgt, %add3A_4, %gt3A_16 : i32
    %convert_element_type3A_18 = arith.extui %gt3A_17 : i1 to i32
    %cond3A_19 = arith.constant 0 : i32
    %cond3A_20 = arith.cmpi ne, %convert_element_type3A_18, %cond3A_19 : i32
    scf.if %cond3A_20 {
      %add3A_40 = arith.constant 1 : i32
      %add3A_41 = arith.addi %sub3A, %add3A_40 : i32
      %dma_start3A = arith.constant 0 : i32
      %dma_start3A_42 = tpu.memref_slice %arg6[%add3A_41, %dma_start3A] : memref<20x512xi32, #tpu.memory_space<vmem>> -> memref<1x512xi32, #tpu.memory_space<vmem>>
      %dma_start3A_43 = tpu.memref_squeeze %dma_start3A_42 : memref<1x512xi32, #tpu.memory_space<vmem>> -> memref<512xi32, #tpu.memory_space<vmem>>
      %dma_start3A_44 = arith.constant 0 : i32
      %dma_start3A_45 = arith.constant 0 : i32
      %dma_start3A_46 = tpu.memref_slice %arg2[%dma_start3A_44, %dma_start3A_45] : memref<10000x32xf32, #tpu.memory_space<hbm>> -> memref<10000x32xf32, #tpu.memory_space<hbm>>
      tpu.enqueue_indirect_dma source(%dma_start3A_46 : memref<10000x32xf32, #tpu.memory_space<hbm>>) target(%arg9 : memref<512x32xf32, #tpu.memory_space<vmem>>) offsets(%dma_start3A_43 : memref<512xi32, #tpu.memory_space<vmem>>) semaphore(%arg13 : memref<!tpu.dma_semaphore, #tpu.memory_space<semaphore_mem>>)
    } else {
    }
    %while3A = arith.constant 0 : i32
    %while3A_21 = arith.constant 0 : i32
    %while3A_22 = arith.subi %add3A_4, %while3A_21 : i32
    %while3A_23 = arith.addi %while3A_21, %while3A_22 : i32
    %while3A_24 = arith.constant 1 : i32
    %while3A_25 = arith.divsi %while3A_22, %while3A_24 : i32
    %while3A_26 = arith.muli %while3A_25, %while3A_24 : i32
    %while3A_27 = arith.addi %while3A_21, %while3A_26 : i32
    %while3A_28 = arith.constant 1 : i32
    scf.for %while3A_40 = %while3A_21 to %while3A_27 step %while3A_28  : i32 {
      %jit3A_41 = arith.constant 3 : i32
      %eq3A = arith.constant 0 : i32
      %eq3A_42 = arith.cmpi eq, %jit3A_41, %eq3A : i32
      %jit3A_43 = arith.constant 1 : i32
      %select_n3A_44 = arith.select %eq3A_42, %jit3A_43, %jit3A_41 : i32
      %rem3A = arith.remsi %while3A_40, %select_n3A_44 : i32
      %ne3A = arith.constant 0 : i32
      %ne3A_45 = arith.cmpi ne, %rem3A, %ne3A : i32
      %lt3A_46 = arith.constant 0 : i32
      %lt3A_47 = arith.cmpi slt, %rem3A, %lt3A_46 : i32
      %lt3A_48 = arith.constant 0 : i32
      %lt3A_49 = arith.cmpi slt, %select_n3A_44, %lt3A_48 : i32
      %ne3A_50 = arith.xori %lt3A_47, %lt3A_49 : i1
      %and3A = arith.andi %ne3A_50, %ne3A_45 : i1
      %add3A_51 = arith.addi %rem3A, %select_n3A_44 : i32
      %select_n3A_52 = arith.select %and3A, %add3A_51, %rem3A : i32
      %eq3A_53 = arith.constant 0 : i32
      %eq3A_54 = arith.cmpi eq, %select_n3A_52, %eq3A_53 : i32
      %convert_element_type3A_55 = arith.extui %eq3A_54 : i1 to i32
      %cond3A_56 = arith.constant 0 : i32
      %cond3A_57 = arith.cmpi ne, %convert_element_type3A_55, %cond3A_56 : i32
      scf.if %cond3A_57 {
        %add3A_100 = arith.addi %sub3A, %while3A_40 : i32
        %dma_wait3A = arith.constant 0 : i32
        %dma_wait3A_101 = tpu.memref_slice %arg6[%add3A_100, %dma_wait3A] : memref<20x512xi32, #tpu.memory_space<vmem>> -> memref<1x512xi32, #tpu.memory_space<vmem>>
        %dma_wait3A_102 = tpu.memref_squeeze %dma_wait3A_101 : memref<1x512xi32, #tpu.memory_space<vmem>> -> memref<512xi32, #tpu.memory_space<vmem>>
        %dma_wait3A_103 = arith.constant 0 : i32
        %dma_wait3A_104 = arith.constant 0 : i32
        %dma_wait3A_105 = tpu.memref_slice %arg2[%dma_wait3A_103, %dma_wait3A_104] : memref<10000x32xf32, #tpu.memory_space<hbm>> -> memref<10000x32xf32, #tpu.memory_space<hbm>>
        tpu.wait_indirect_dma semaphore(%arg12 : memref<!tpu.dma_semaphore, #tpu.memory_space<semaphore_mem>>) src(%dma_wait3A_105 : memref<10000x32xf32, #tpu.memory_space<hbm>>) dst(%arg8 : memref<512x32xf32, #tpu.memory_space<vmem>>)
        %ge3A = arith.constant 1 : i32
        %ge3A_106 = arith.cmpi sge, %while3A_40, %ge3A : i32
        %convert_element_type3A_107 = arith.extui %ge3A_106 : i1 to i32
        %cond3A_108 = arith.constant 0 : i32
        %cond3A_109 = arith.cmpi ne, %convert_element_type3A_107, %cond3A_108 : i32
        scf.if %cond3A_109 {
          %add3A_124 = arith.addi %sub3A, %while3A_40 : i32
          %sub3A_125 = arith.constant 1 : i32
          %sub3A_126 = arith.subi %add3A_124, %sub3A_125 : i32
          %dma_wait3A_127 = arith.constant 0 : i32
          %dma_wait3A_128 = tpu.memref_slice %arg7[%sub3A_126, %dma_wait3A_127] : memref<20x512xi32, #tpu.memory_space<vmem>> -> memref<1x512xi32, #tpu.memory_space<vmem>>
          %dma_wait3A_129 = tpu.memref_squeeze %dma_wait3A_128 : memref<1x512xi32, #tpu.memory_space<vmem>> -> memref<512xi32, #tpu.memory_space<vmem>>
          %dma_wait3A_130 = arith.constant 0 : i32
          %dma_wait3A_131 = arith.constant 0 : i32
          %dma_wait3A_132 = tpu.memref_slice %arg11[%dma_wait3A_130, %dma_wait3A_131] : memref<10240x32xf32, #tpu.memory_space<vmem_shared>> -> memref<10240x32xf32, #tpu.memory_space<vmem_shared>>
          tpu.wait_indirect_dma semaphore(%arg17 : memref<!tpu.dma_semaphore, #tpu.memory_space<semaphore_mem>>) src(%arg10 : memref<512x32xf32, #tpu.memory_space<vmem>>) dst(%dma_wait3A_132 : memref<10240x32xf32, #tpu.memory_space<vmem_shared>>)
        } else {
        }
        %add3A_110 = arith.addi %sub3A, %while3A_40 : i32
        %dma_start3A = arith.constant 0 : i32
        %dma_start3A_111 = tpu.memref_slice %arg7[%add3A_110, %dma_start3A] : memref<20x512xi32, #tpu.memory_space<vmem>> -> memref<1x512xi32, #tpu.memory_space<vmem>>
        %dma_start3A_112 = tpu.memref_squeeze %dma_start3A_111 : memref<1x512xi32, #tpu.memory_space<vmem>> -> memref<512xi32, #tpu.memory_space<vmem>>
        %dma_start3A_113 = arith.constant 0 : i32
        %dma_start3A_114 = arith.constant 0 : i32
        %dma_start3A_115 = tpu.memref_slice %arg11[%dma_start3A_113, %dma_start3A_114] : memref<10240x32xf32, #tpu.memory_space<vmem_shared>> -> memref<10240x32xf32, #tpu.memory_space<vmem_shared>>
        tpu.enqueue_indirect_dma source(%arg8 : memref<512x32xf32, #tpu.memory_space<vmem>>) target(%dma_start3A_115 : memref<10240x32xf32, #tpu.memory_space<vmem_shared>>) offsets(%dma_start3A_112 : memref<512xi32, #tpu.memory_space<vmem>>) semaphore(%arg15 : memref<!tpu.dma_semaphore, #tpu.memory_space<semaphore_mem>>) {add = true}
        %add3A_116 = arith.constant 3 : i32
        %add3A_117 = arith.addi %while3A_40, %add3A_116 : i32
        %sub3A_118 = arith.constant 1 : i32
        %sub3A_119 = arith.subi %add3A_117, %sub3A_118 : i32
        %lt3A_120 = arith.cmpi slt, %sub3A_119, %add3A_4 : i32
        %convert_element_type3A_121 = arith.extui %lt3A_120 : i1 to i32
        %cond3A_122 = arith.constant 0 : i32
        %cond3A_123 = arith.cmpi ne, %convert_element_type3A_121, %cond3A_122 : i32
        scf.if %cond3A_123 {
          %add3A_124 = arith.addi %sub3A, %while3A_40 : i32
          %add3A_125 = arith.constant 3 : i32
          %add3A_126 = arith.addi %add3A_124, %add3A_125 : i32
          %sub3A_127 = arith.constant 1 : i32
          %sub3A_128 = arith.subi %add3A_126, %sub3A_127 : i32
          %dma_start3A_129 = arith.constant 0 : i32
          %dma_start3A_130 = tpu.memref_slice %arg6[%sub3A_128, %dma_start3A_129] : memref<20x512xi32, #tpu.memory_space<vmem>> -> memref<1x512xi32, #tpu.memory_space<vmem>>
          %dma_start3A_131 = tpu.memref_squeeze %dma_start3A_130 : memref<1x512xi32, #tpu.memory_space<vmem>> -> memref<512xi32, #tpu.memory_space<vmem>>
          %dma_start3A_132 = arith.constant 0 : i32
          %dma_start3A_133 = arith.constant 0 : i32
          %dma_start3A_134 = tpu.memref_slice %arg2[%dma_start3A_132, %dma_start3A_133] : memref<10000x32xf32, #tpu.memory_space<hbm>> -> memref<10000x32xf32, #tpu.memory_space<hbm>>
          tpu.enqueue_indirect_dma source(%dma_start3A_134 : memref<10000x32xf32, #tpu.memory_space<hbm>>) target(%arg10 : memref<512x32xf32, #tpu.memory_space<vmem>>) offsets(%dma_start3A_131 : memref<512xi32, #tpu.memory_space<vmem>>) semaphore(%arg14 : memref<!tpu.dma_semaphore, #tpu.memory_space<semaphore_mem>>)
        } else {
        }
      } else {
      }
      %jit3A_58 = arith.constant 3 : i32
      %eq3A_59 = arith.constant 0 : i32
      %eq3A_60 = arith.cmpi eq, %jit3A_58, %eq3A_59 : i32
      %jit3A_61 = arith.constant 1 : i32
      %select_n3A_62 = arith.select %eq3A_60, %jit3A_61, %jit3A_58 : i32
      %rem3A_63 = arith.remsi %while3A_40, %select_n3A_62 : i32
      %ne3A_64 = arith.constant 0 : i32
      %ne3A_65 = arith.cmpi ne, %rem3A_63, %ne3A_64 : i32
      %lt3A_66 = arith.constant 0 : i32
      %lt3A_67 = arith.cmpi slt, %rem3A_63, %lt3A_66 : i32
      %lt3A_68 = arith.constant 0 : i32
      %lt3A_69 = arith.cmpi slt, %select_n3A_62, %lt3A_68 : i32
      %ne3A_70 = arith.xori %lt3A_67, %lt3A_69 : i1
      %and3A_71 = arith.andi %ne3A_70, %ne3A_65 : i1
      %add3A_72 = arith.addi %rem3A_63, %select_n3A_62 : i32
      %select_n3A_73 = arith.select %and3A_71, %add3A_72, %rem3A_63 : i32
      %eq3A_74 = arith.constant 1 : i32
      %eq3A_75 = arith.cmpi eq, %select_n3A_73, %eq3A_74 : i32
      %convert_element_type3A_76 = arith.extui %eq3A_75 : i1 to i32
      %cond3A_77 = arith.constant 0 : i32
      %cond3A_78 = arith.cmpi ne, %convert_element_type3A_76, %cond3A_77 : i32
      scf.if %cond3A_78 {
        %add3A_100 = arith.addi %sub3A, %while3A_40 : i32
        %dma_wait3A = arith.constant 0 : i32
        %dma_wait3A_101 = tpu.memref_slice %arg6[%add3A_100, %dma_wait3A] : memref<20x512xi32, #tpu.memory_space<vmem>> -> memref<1x512xi32, #tpu.memory_space<vmem>>
        %dma_wait3A_102 = tpu.memref_squeeze %dma_wait3A_101 : memref<1x512xi32, #tpu.memory_space<vmem>> -> memref<512xi32, #tpu.memory_space<vmem>>
        %dma_wait3A_103 = arith.constant 0 : i32
        %dma_wait3A_104 = arith.constant 0 : i32
        %dma_wait3A_105 = tpu.memref_slice %arg2[%dma_wait3A_103, %dma_wait3A_104] : memref<10000x32xf32, #tpu.memory_space<hbm>> -> memref<10000x32xf32, #tpu.memory_space<hbm>>
        tpu.wait_indirect_dma semaphore(%arg13 : memref<!tpu.dma_semaphore, #tpu.memory_space<semaphore_mem>>) src(%dma_wait3A_105 : memref<10000x32xf32, #tpu.memory_space<hbm>>) dst(%arg9 : memref<512x32xf32, #tpu.memory_space<vmem>>)
        %ge3A = arith.constant 1 : i32
        %ge3A_106 = arith.cmpi sge, %while3A_40, %ge3A : i32
        %convert_element_type3A_107 = arith.extui %ge3A_106 : i1 to i32
        %cond3A_108 = arith.constant 0 : i32
        %cond3A_109 = arith.cmpi ne, %convert_element_type3A_107, %cond3A_108 : i32
        scf.if %cond3A_109 {
          %add3A_124 = arith.addi %sub3A, %while3A_40 : i32
          %sub3A_125 = arith.constant 1 : i32
          %sub3A_126 = arith.subi %add3A_124, %sub3A_125 : i32
          %dma_wait3A_127 = arith.constant 0 : i32
          %dma_wait3A_128 = tpu.memref_slice %arg7[%sub3A_126, %dma_wait3A_127] : memref<20x512xi32, #tpu.memory_space<vmem>> -> memref<1x512xi32, #tpu.memory_space<vmem>>
          %dma_wait3A_129 = tpu.memref_squeeze %dma_wait3A_128 : memref<1x512xi32, #tpu.memory_space<vmem>> -> memref<512xi32, #tpu.memory_space<vmem>>
          %dma_wait3A_130 = arith.constant 0 : i32
          %dma_wait3A_131 = arith.constant 0 : i32
          %dma_wait3A_132 = tpu.memref_slice %arg11[%dma_wait3A_130, %dma_wait3A_131] : memref<10240x32xf32, #tpu.memory_space<vmem_shared>> -> memref<10240x32xf32, #tpu.memory_space<vmem_shared>>
          tpu.wait_indirect_dma semaphore(%arg15 : memref<!tpu.dma_semaphore, #tpu.memory_space<semaphore_mem>>) src(%arg8 : memref<512x32xf32, #tpu.memory_space<vmem>>) dst(%dma_wait3A_132 : memref<10240x32xf32, #tpu.memory_space<vmem_shared>>)
        } else {
        }
        %add3A_110 = arith.addi %sub3A, %while3A_40 : i32
        %dma_start3A = arith.constant 0 : i32
        %dma_start3A_111 = tpu.memref_slice %arg7[%add3A_110, %dma_start3A] : memref<20x512xi32, #tpu.memory_space<vmem>> -> memref<1x512xi32, #tpu.memory_space<vmem>>
        %dma_start3A_112 = tpu.memref_squeeze %dma_start3A_111 : memref<1x512xi32, #tpu.memory_space<vmem>> -> memref<512xi32, #tpu.memory_space<vmem>>
        %dma_start3A_113 = arith.constant 0 : i32
        %dma_start3A_114 = arith.constant 0 : i32
        %dma_start3A_115 = tpu.memref_slice %arg11[%dma_start3A_113, %dma_start3A_114] : memref<10240x32xf32, #tpu.memory_space<vmem_shared>> -> memref<10240x32xf32, #tpu.memory_space<vmem_shared>>
        tpu.enqueue_indirect_dma source(%arg9 : memref<512x32xf32, #tpu.memory_space<vmem>>) target(%dma_start3A_115 : memref<10240x32xf32, #tpu.memory_space<vmem_shared>>) offsets(%dma_start3A_112 : memref<512xi32, #tpu.memory_space<vmem>>) semaphore(%arg16 : memref<!tpu.dma_semaphore, #tpu.memory_space<semaphore_mem>>) {add = true}
        %add3A_116 = arith.constant 3 : i32
        %add3A_117 = arith.addi %while3A_40, %add3A_116 : i32
        %sub3A_118 = arith.constant 1 : i32
        %sub3A_119 = arith.subi %add3A_117, %sub3A_118 : i32
        %lt3A_120 = arith.cmpi slt, %sub3A_119, %add3A_4 : i32
        %convert_element_type3A_121 = arith.extui %lt3A_120 : i1 to i32
        %cond3A_122 = arith.constant 0 : i32
        %cond3A_123 = arith.cmpi ne, %convert_element_type3A_121, %cond3A_122 : i32
        scf.if %cond3A_123 {
          %add3A_124 = arith.addi %sub3A, %while3A_40 : i32
          %add3A_125 = arith.constant 3 : i32
          %add3A_126 = arith.addi %add3A_124, %add3A_125 : i32
          %sub3A_127 = arith.constant 1 : i32
          %sub3A_128 = arith.subi %add3A_126, %sub3A_127 : i32
          %dma_start3A_129 = arith.constant 0 : i32
          %dma_start3A_130 = tpu.memref_slice %arg6[%sub3A_128, %dma_start3A_129] : memref<20x512xi32, #tpu.memory_space<vmem>> -> memref<1x512xi32, #tpu.memory_space<vmem>>
          %dma_start3A_131 = tpu.memref_squeeze %dma_start3A_130 : memref<1x512xi32, #tpu.memory_space<vmem>> -> memref<512xi32, #tpu.memory_space<vmem>>
          %dma_start3A_132 = arith.constant 0 : i32
          %dma_start3A_133 = arith.constant 0 : i32
          %dma_start3A_134 = tpu.memref_slice %arg2[%dma_start3A_132, %dma_start3A_133] : memref<10000x32xf32, #tpu.memory_space<hbm>> -> memref<10000x32xf32, #tpu.memory_space<hbm>>
          tpu.enqueue_indirect_dma source(%dma_start3A_134 : memref<10000x32xf32, #tpu.memory_space<hbm>>) target(%arg8 : memref<512x32xf32, #tpu.memory_space<vmem>>) offsets(%dma_start3A_131 : memref<512xi32, #tpu.memory_space<vmem>>) semaphore(%arg12 : memref<!tpu.dma_semaphore, #tpu.memory_space<semaphore_mem>>)
        } else {
        }
      } else {
      }
      %jit3A_79 = arith.constant 3 : i32
      %eq3A_80 = arith.constant 0 : i32
      %eq3A_81 = arith.cmpi eq, %jit3A_79, %eq3A_80 : i32
      %jit3A_82 = arith.constant 1 : i32
      %select_n3A_83 = arith.select %eq3A_81, %jit3A_82, %jit3A_79 : i32
      %rem3A_84 = arith.remsi %while3A_40, %select_n3A_83 : i32
      %ne3A_85 = arith.constant 0 : i32
      %ne3A_86 = arith.cmpi ne, %rem3A_84, %ne3A_85 : i32
      %lt3A_87 = arith.constant 0 : i32
      %lt3A_88 = arith.cmpi slt, %rem3A_84, %lt3A_87 : i32
      %lt3A_89 = arith.constant 0 : i32
      %lt3A_90 = arith.cmpi slt, %select_n3A_83, %lt3A_89 : i32
      %ne3A_91 = arith.xori %lt3A_88, %lt3A_90 : i1
      %and3A_92 = arith.andi %ne3A_91, %ne3A_86 : i1
      %add3A_93 = arith.addi %rem3A_84, %select_n3A_83 : i32
      %select_n3A_94 = arith.select %and3A_92, %add3A_93, %rem3A_84 : i32
      %eq3A_95 = arith.constant 2 : i32
      %eq3A_96 = arith.cmpi eq, %select_n3A_94, %eq3A_95 : i32
      %convert_element_type3A_97 = arith.extui %eq3A_96 : i1 to i32
      %cond3A_98 = arith.constant 0 : i32
      %cond3A_99 = arith.cmpi ne, %convert_element_type3A_97, %cond3A_98 : i32
      scf.if %cond3A_99 {
        %add3A_100 = arith.addi %sub3A, %while3A_40 : i32
        %dma_wait3A = arith.constant 0 : i32
        %dma_wait3A_101 = tpu.memref_slice %arg6[%add3A_100, %dma_wait3A] : memref<20x512xi32, #tpu.memory_space<vmem>> -> memref<1x512xi32, #tpu.memory_space<vmem>>
        %dma_wait3A_102 = tpu.memref_squeeze %dma_wait3A_101 : memref<1x512xi32, #tpu.memory_space<vmem>> -> memref<512xi32, #tpu.memory_space<vmem>>
        %dma_wait3A_103 = arith.constant 0 : i32
        %dma_wait3A_104 = arith.constant 0 : i32
        %dma_wait3A_105 = tpu.memref_slice %arg2[%dma_wait3A_103, %dma_wait3A_104] : memref<10000x32xf32, #tpu.memory_space<hbm>> -> memref<10000x32xf32, #tpu.memory_space<hbm>>
        tpu.wait_indirect_dma semaphore(%arg14 : memref<!tpu.dma_semaphore, #tpu.memory_space<semaphore_mem>>) src(%dma_wait3A_105 : memref<10000x32xf32, #tpu.memory_space<hbm>>) dst(%arg10 : memref<512x32xf32, #tpu.memory_space<vmem>>)
        %ge3A = arith.constant 1 : i32
        %ge3A_106 = arith.cmpi sge, %while3A_40, %ge3A : i32
        %convert_element_type3A_107 = arith.extui %ge3A_106 : i1 to i32
        %cond3A_108 = arith.constant 0 : i32
        %cond3A_109 = arith.cmpi ne, %convert_element_type3A_107, %cond3A_108 : i32
        scf.if %cond3A_109 {
          %add3A_124 = arith.addi %sub3A, %while3A_40 : i32
          %sub3A_125 = arith.constant 1 : i32
          %sub3A_126 = arith.subi %add3A_124, %sub3A_125 : i32
          %dma_wait3A_127 = arith.constant 0 : i32
          %dma_wait3A_128 = tpu.memref_slice %arg7[%sub3A_126, %dma_wait3A_127] : memref<20x512xi32, #tpu.memory_space<vmem>> -> memref<1x512xi32, #tpu.memory_space<vmem>>
          %dma_wait3A_129 = tpu.memref_squeeze %dma_wait3A_128 : memref<1x512xi32, #tpu.memory_space<vmem>> -> memref<512xi32, #tpu.memory_space<vmem>>
          %dma_wait3A_130 = arith.constant 0 : i32
          %dma_wait3A_131 = arith.constant 0 : i32
          %dma_wait3A_132 = tpu.memref_slice %arg11[%dma_wait3A_130, %dma_wait3A_131] : memref<10240x32xf32, #tpu.memory_space<vmem_shared>> -> memref<10240x32xf32, #tpu.memory_space<vmem_shared>>
          tpu.wait_indirect_dma semaphore(%arg16 : memref<!tpu.dma_semaphore, #tpu.memory_space<semaphore_mem>>) src(%arg9 : memref<512x32xf32, #tpu.memory_space<vmem>>) dst(%dma_wait3A_132 : memref<10240x32xf32, #tpu.memory_space<vmem_shared>>)
        } else {
        }
        %add3A_110 = arith.addi %sub3A, %while3A_40 : i32
        %dma_start3A = arith.constant 0 : i32
        %dma_start3A_111 = tpu.memref_slice %arg7[%add3A_110, %dma_start3A] : memref<20x512xi32, #tpu.memory_space<vmem>> -> memref<1x512xi32, #tpu.memory_space<vmem>>
        %dma_start3A_112 = tpu.memref_squeeze %dma_start3A_111 : memref<1x512xi32, #tpu.memory_space<vmem>> -> memref<512xi32, #tpu.memory_space<vmem>>
        %dma_start3A_113 = arith.constant 0 : i32
        %dma_start3A_114 = arith.constant 0 : i32
        %dma_start3A_115 = tpu.memref_slice %arg11[%dma_start3A_113, %dma_start3A_114] : memref<10240x32xf32, #tpu.memory_space<vmem_shared>> -> memref<10240x32xf32, #tpu.memory_space<vmem_shared>>
        tpu.enqueue_indirect_dma source(%arg10 : memref<512x32xf32, #tpu.memory_space<vmem>>) target(%dma_start3A_115 : memref<10240x32xf32, #tpu.memory_space<vmem_shared>>) offsets(%dma_start3A_112 : memref<512xi32, #tpu.memory_space<vmem>>) semaphore(%arg17 : memref<!tpu.dma_semaphore, #tpu.memory_space<semaphore_mem>>) {add = true}
        %add3A_116 = arith.constant 3 : i32
        %add3A_117 = arith.addi %while3A_40, %add3A_116 : i32
        %sub3A_118 = arith.constant 1 : i32
        %sub3A_119 = arith.subi %add3A_117, %sub3A_118 : i32
        %lt3A_120 = arith.cmpi slt, %sub3A_119, %add3A_4 : i32
        %convert_element_type3A_121 = arith.extui %lt3A_120 : i1 to i32
        %cond3A_122 = arith.constant 0 : i32
        %cond3A_123 = arith.cmpi ne, %convert_element_type3A_121, %cond3A_122 : i32
        scf.if %cond3A_123 {
          %add3A_124 = arith.addi %sub3A, %while3A_40 : i32
          %add3A_125 = arith.constant 3 : i32
          %add3A_126 = arith.addi %add3A_124, %add3A_125 : i32
          %sub3A_127 = arith.constant 1 : i32
          %sub3A_128 = arith.subi %add3A_126, %sub3A_127 : i32
          %dma_start3A_129 = arith.constant 0 : i32
          %dma_start3A_130 = tpu.memref_slice %arg6[%sub3A_128, %dma_start3A_129] : memref<20x512xi32, #tpu.memory_space<vmem>> -> memref<1x512xi32, #tpu.memory_space<vmem>>
          %dma_start3A_131 = tpu.memref_squeeze %dma_start3A_130 : memref<1x512xi32, #tpu.memory_space<vmem>> -> memref<512xi32, #tpu.memory_space<vmem>>
          %dma_start3A_132 = arith.constant 0 : i32
          %dma_start3A_133 = arith.constant 0 : i32
          %dma_start3A_134 = tpu.memref_slice %arg2[%dma_start3A_132, %dma_start3A_133] : memref<10000x32xf32, #tpu.memory_space<hbm>> -> memref<10000x32xf32, #tpu.memory_space<hbm>>
          tpu.enqueue_indirect_dma source(%dma_start3A_134 : memref<10000x32xf32, #tpu.memory_space<hbm>>) target(%arg9 : memref<512x32xf32, #tpu.memory_space<vmem>>) offsets(%dma_start3A_131 : memref<512xi32, #tpu.memory_space<vmem>>) semaphore(%arg13 : memref<!tpu.dma_semaphore, #tpu.memory_space<semaphore_mem>>)
        } else {
        }
      } else {
      }
    }
    %while3A_29 = arith.constant 1 : i32
    scf.for %while3A_40 = %while3A_27 to %while3A_23 step %while3A_29  : i32 {
      %jit3A_41 = arith.constant 3 : i32
      %eq3A = arith.constant 0 : i32
      %eq3A_42 = arith.cmpi eq, %jit3A_41, %eq3A : i32
      %jit3A_43 = arith.constant 1 : i32
      %select_n3A_44 = arith.select %eq3A_42, %jit3A_43, %jit3A_41 : i32
      %rem3A = arith.remsi %while3A_40, %select_n3A_44 : i32
      %ne3A = arith.constant 0 : i32
      %ne3A_45 = arith.cmpi ne, %rem3A, %ne3A : i32
      %lt3A_46 = arith.constant 0 : i32
      %lt3A_47 = arith.cmpi slt, %rem3A, %lt3A_46 : i32
      %lt3A_48 = arith.constant 0 : i32
      %lt3A_49 = arith.cmpi slt, %select_n3A_44, %lt3A_48 : i32
      %ne3A_50 = arith.xori %lt3A_47, %lt3A_49 : i1
      %and3A = arith.andi %ne3A_50, %ne3A_45 : i1
      %add3A_51 = arith.addi %rem3A, %select_n3A_44 : i32
      %select_n3A_52 = arith.select %and3A, %add3A_51, %rem3A : i32
      %eq3A_53 = arith.constant 0 : i32
      %eq3A_54 = arith.cmpi eq, %select_n3A_52, %eq3A_53 : i32
      %convert_element_type3A_55 = arith.extui %eq3A_54 : i1 to i32
      %cond3A_56 = arith.constant 0 : i32
      %cond3A_57 = arith.cmpi ne, %convert_element_type3A_55, %cond3A_56 : i32
      scf.if %cond3A_57 {
        %add3A_100 = arith.addi %sub3A, %while3A_40 : i32
        %dma_wait3A = arith.constant 0 : i32
        %dma_wait3A_101 = tpu.memref_slice %arg6[%add3A_100, %dma_wait3A] : memref<20x512xi32, #tpu.memory_space<vmem>> -> memref<1x512xi32, #tpu.memory_space<vmem>>
        %dma_wait3A_102 = tpu.memref_squeeze %dma_wait3A_101 : memref<1x512xi32, #tpu.memory_space<vmem>> -> memref<512xi32, #tpu.memory_space<vmem>>
        %dma_wait3A_103 = arith.constant 0 : i32
        %dma_wait3A_104 = arith.constant 0 : i32
        %dma_wait3A_105 = tpu.memref_slice %arg2[%dma_wait3A_103, %dma_wait3A_104] : memref<10000x32xf32, #tpu.memory_space<hbm>> -> memref<10000x32xf32, #tpu.memory_space<hbm>>
        tpu.wait_indirect_dma semaphore(%arg12 : memref<!tpu.dma_semaphore, #tpu.memory_space<semaphore_mem>>) src(%dma_wait3A_105 : memref<10000x32xf32, #tpu.memory_space<hbm>>) dst(%arg8 : memref<512x32xf32, #tpu.memory_space<vmem>>)
        %ge3A = arith.constant 1 : i32
        %ge3A_106 = arith.cmpi sge, %while3A_40, %ge3A : i32
        %convert_element_type3A_107 = arith.extui %ge3A_106 : i1 to i32
        %cond3A_108 = arith.constant 0 : i32
        %cond3A_109 = arith.cmpi ne, %convert_element_type3A_107, %cond3A_108 : i32
        scf.if %cond3A_109 {
          %add3A_124 = arith.addi %sub3A, %while3A_40 : i32
          %sub3A_125 = arith.constant 1 : i32
          %sub3A_126 = arith.subi %add3A_124, %sub3A_125 : i32
          %dma_wait3A_127 = arith.constant 0 : i32
          %dma_wait3A_128 = tpu.memref_slice %arg7[%sub3A_126, %dma_wait3A_127] : memref<20x512xi32, #tpu.memory_space<vmem>> -> memref<1x512xi32, #tpu.memory_space<vmem>>
          %dma_wait3A_129 = tpu.memref_squeeze %dma_wait3A_128 : memref<1x512xi32, #tpu.memory_space<vmem>> -> memref<512xi32, #tpu.memory_space<vmem>>
          %dma_wait3A_130 = arith.constant 0 : i32
          %dma_wait3A_131 = arith.constant 0 : i32
          %dma_wait3A_132 = tpu.memref_slice %arg11[%dma_wait3A_130, %dma_wait3A_131] : memref<10240x32xf32, #tpu.memory_space<vmem_shared>> -> memref<10240x32xf32, #tpu.memory_space<vmem_shared>>
          tpu.wait_indirect_dma semaphore(%arg17 : memref<!tpu.dma_semaphore, #tpu.memory_space<semaphore_mem>>) src(%arg10 : memref<512x32xf32, #tpu.memory_space<vmem>>) dst(%dma_wait3A_132 : memref<10240x32xf32, #tpu.memory_space<vmem_shared>>)
        } else {
        }
        %add3A_110 = arith.addi %sub3A, %while3A_40 : i32
        %dma_start3A = arith.constant 0 : i32
        %dma_start3A_111 = tpu.memref_slice %arg7[%add3A_110, %dma_start3A] : memref<20x512xi32, #tpu.memory_space<vmem>> -> memref<1x512xi32, #tpu.memory_space<vmem>>
        %dma_start3A_112 = tpu.memref_squeeze %dma_start3A_111 : memref<1x512xi32, #tpu.memory_space<vmem>> -> memref<512xi32, #tpu.memory_space<vmem>>
        %dma_start3A_113 = arith.constant 0 : i32
        %dma_start3A_114 = arith.constant 0 : i32
        %dma_start3A_115 = tpu.memref_slice %arg11[%dma_start3A_113, %dma_start3A_114] : memref<10240x32xf32, #tpu.memory_space<vmem_shared>> -> memref<10240x32xf32, #tpu.memory_space<vmem_shared>>
        tpu.enqueue_indirect_dma source(%arg8 : memref<512x32xf32, #tpu.memory_space<vmem>>) target(%dma_start3A_115 : memref<10240x32xf32, #tpu.memory_space<vmem_shared>>) offsets(%dma_start3A_112 : memref<512xi32, #tpu.memory_space<vmem>>) semaphore(%arg15 : memref<!tpu.dma_semaphore, #tpu.memory_space<semaphore_mem>>) {add = true}
        %add3A_116 = arith.constant 3 : i32
        %add3A_117 = arith.addi %while3A_40, %add3A_116 : i32
        %sub3A_118 = arith.constant 1 : i32
        %sub3A_119 = arith.subi %add3A_117, %sub3A_118 : i32
        %lt3A_120 = arith.cmpi slt, %sub3A_119, %add3A_4 : i32
        %convert_element_type3A_121 = arith.extui %lt3A_120 : i1 to i32
        %cond3A_122 = arith.constant 0 : i32
        %cond3A_123 = arith.cmpi ne, %convert_element_type3A_121, %cond3A_122 : i32
        scf.if %cond3A_123 {
          %add3A_124 = arith.addi %sub3A, %while3A_40 : i32
          %add3A_125 = arith.constant 3 : i32
          %add3A_126 = arith.addi %add3A_124, %add3A_125 : i32
          %sub3A_127 = arith.constant 1 : i32
          %sub3A_128 = arith.subi %add3A_126, %sub3A_127 : i32
          %dma_start3A_129 = arith.constant 0 : i32
          %dma_start3A_130 = tpu.memref_slice %arg6[%sub3A_128, %dma_start3A_129] : memref<20x512xi32, #tpu.memory_space<vmem>> -> memref<1x512xi32, #tpu.memory_space<vmem>>
          %dma_start3A_131 = tpu.memref_squeeze %dma_start3A_130 : memref<1x512xi32, #tpu.memory_space<vmem>> -> memref<512xi32, #tpu.memory_space<vmem>>
          %dma_start3A_132 = arith.constant 0 : i32
          %dma_start3A_133 = arith.constant 0 : i32
          %dma_start3A_134 = tpu.memref_slice %arg2[%dma_start3A_132, %dma_start3A_133] : memref<10000x32xf32, #tpu.memory_space<hbm>> -> memref<10000x32xf32, #tpu.memory_space<hbm>>
          tpu.enqueue_indirect_dma source(%dma_start3A_134 : memref<10000x32xf32, #tpu.memory_space<hbm>>) target(%arg10 : memref<512x32xf32, #tpu.memory_space<vmem>>) offsets(%dma_start3A_131 : memref<512xi32, #tpu.memory_space<vmem>>) semaphore(%arg14 : memref<!tpu.dma_semaphore, #tpu.memory_space<semaphore_mem>>)
        } else {
        }
      } else {
      }
      %jit3A_58 = arith.constant 3 : i32
      %eq3A_59 = arith.constant 0 : i32
      %eq3A_60 = arith.cmpi eq, %jit3A_58, %eq3A_59 : i32
      %jit3A_61 = arith.constant 1 : i32
      %select_n3A_62 = arith.select %eq3A_60, %jit3A_61, %jit3A_58 : i32
      %rem3A_63 = arith.remsi %while3A_40, %select_n3A_62 : i32
      %ne3A_64 = arith.constant 0 : i32
      %ne3A_65 = arith.cmpi ne, %rem3A_63, %ne3A_64 : i32
      %lt3A_66 = arith.constant 0 : i32
      %lt3A_67 = arith.cmpi slt, %rem3A_63, %lt3A_66 : i32
      %lt3A_68 = arith.constant 0 : i32
      %lt3A_69 = arith.cmpi slt, %select_n3A_62, %lt3A_68 : i32
      %ne3A_70 = arith.xori %lt3A_67, %lt3A_69 : i1
      %and3A_71 = arith.andi %ne3A_70, %ne3A_65 : i1
      %add3A_72 = arith.addi %rem3A_63, %select_n3A_62 : i32
      %select_n3A_73 = arith.select %and3A_71, %add3A_72, %rem3A_63 : i32
      %eq3A_74 = arith.constant 1 : i32
      %eq3A_75 = arith.cmpi eq, %select_n3A_73, %eq3A_74 : i32
      %convert_element_type3A_76 = arith.extui %eq3A_75 : i1 to i32
      %cond3A_77 = arith.constant 0 : i32
      %cond3A_78 = arith.cmpi ne, %convert_element_type3A_76, %cond3A_77 : i32
      scf.if %cond3A_78 {
        %add3A_100 = arith.addi %sub3A, %while3A_40 : i32
        %dma_wait3A = arith.constant 0 : i32
        %dma_wait3A_101 = tpu.memref_slice %arg6[%add3A_100, %dma_wait3A] : memref<20x512xi32, #tpu.memory_space<vmem>> -> memref<1x512xi32, #tpu.memory_space<vmem>>
        %dma_wait3A_102 = tpu.memref_squeeze %dma_wait3A_101 : memref<1x512xi32, #tpu.memory_space<vmem>> -> memref<512xi32, #tpu.memory_space<vmem>>
        %dma_wait3A_103 = arith.constant 0 : i32
        %dma_wait3A_104 = arith.constant 0 : i32
        %dma_wait3A_105 = tpu.memref_slice %arg2[%dma_wait3A_103, %dma_wait3A_104] : memref<10000x32xf32, #tpu.memory_space<hbm>> -> memref<10000x32xf32, #tpu.memory_space<hbm>>
        tpu.wait_indirect_dma semaphore(%arg13 : memref<!tpu.dma_semaphore, #tpu.memory_space<semaphore_mem>>) src(%dma_wait3A_105 : memref<10000x32xf32, #tpu.memory_space<hbm>>) dst(%arg9 : memref<512x32xf32, #tpu.memory_space<vmem>>)
        %ge3A = arith.constant 1 : i32
        %ge3A_106 = arith.cmpi sge, %while3A_40, %ge3A : i32
        %convert_element_type3A_107 = arith.extui %ge3A_106 : i1 to i32
        %cond3A_108 = arith.constant 0 : i32
        %cond3A_109 = arith.cmpi ne, %convert_element_type3A_107, %cond3A_108 : i32
        scf.if %cond3A_109 {
          %add3A_124 = arith.addi %sub3A, %while3A_40 : i32
          %sub3A_125 = arith.constant 1 : i32
          %sub3A_126 = arith.subi %add3A_124, %sub3A_125 : i32
          %dma_wait3A_127 = arith.constant 0 : i32
          %dma_wait3A_128 = tpu.memref_slice %arg7[%sub3A_126, %dma_wait3A_127] : memref<20x512xi32, #tpu.memory_space<vmem>> -> memref<1x512xi32, #tpu.memory_space<vmem>>
          %dma_wait3A_129 = tpu.memref_squeeze %dma_wait3A_128 : memref<1x512xi32, #tpu.memory_space<vmem>> -> memref<512xi32, #tpu.memory_space<vmem>>
          %dma_wait3A_130 = arith.constant 0 : i32
          %dma_wait3A_131 = arith.constant 0 : i32
          %dma_wait3A_132 = tpu.memref_slice %arg11[%dma_wait3A_130, %dma_wait3A_131] : memref<10240x32xf32, #tpu.memory_space<vmem_shared>> -> memref<10240x32xf32, #tpu.memory_space<vmem_shared>>
          tpu.wait_indirect_dma semaphore(%arg15 : memref<!tpu.dma_semaphore, #tpu.memory_space<semaphore_mem>>) src(%arg8 : memref<512x32xf32, #tpu.memory_space<vmem>>) dst(%dma_wait3A_132 : memref<10240x32xf32, #tpu.memory_space<vmem_shared>>)
        } else {
        }
        %add3A_110 = arith.addi %sub3A, %while3A_40 : i32
        %dma_start3A = arith.constant 0 : i32
        %dma_start3A_111 = tpu.memref_slice %arg7[%add3A_110, %dma_start3A] : memref<20x512xi32, #tpu.memory_space<vmem>> -> memref<1x512xi32, #tpu.memory_space<vmem>>
        %dma_start3A_112 = tpu.memref_squeeze %dma_start3A_111 : memref<1x512xi32, #tpu.memory_space<vmem>> -> memref<512xi32, #tpu.memory_space<vmem>>
        %dma_start3A_113 = arith.constant 0 : i32
        %dma_start3A_114 = arith.constant 0 : i32
        %dma_start3A_115 = tpu.memref_slice %arg11[%dma_start3A_113, %dma_start3A_114] : memref<10240x32xf32, #tpu.memory_space<vmem_shared>> -> memref<10240x32xf32, #tpu.memory_space<vmem_shared>>
        tpu.enqueue_indirect_dma source(%arg9 : memref<512x32xf32, #tpu.memory_space<vmem>>) target(%dma_start3A_115 : memref<10240x32xf32, #tpu.memory_space<vmem_shared>>) offsets(%dma_start3A_112 : memref<512xi32, #tpu.memory_space<vmem>>) semaphore(%arg16 : memref<!tpu.dma_semaphore, #tpu.memory_space<semaphore_mem>>) {add = true}
        %add3A_116 = arith.constant 3 : i32
        %add3A_117 = arith.addi %while3A_40, %add3A_116 : i32
        %sub3A_118 = arith.constant 1 : i32
        %sub3A_119 = arith.subi %add3A_117, %sub3A_118 : i32
        %lt3A_120 = arith.cmpi slt, %sub3A_119, %add3A_4 : i32
        %convert_element_type3A_121 = arith.extui %lt3A_120 : i1 to i32
        %cond3A_122 = arith.constant 0 : i32
        %cond3A_123 = arith.cmpi ne, %convert_element_type3A_121, %cond3A_122 : i32
        scf.if %cond3A_123 {
          %add3A_124 = arith.addi %sub3A, %while3A_40 : i32
          %add3A_125 = arith.constant 3 : i32
          %add3A_126 = arith.addi %add3A_124, %add3A_125 : i32
          %sub3A_127 = arith.constant 1 : i32
          %sub3A_128 = arith.subi %add3A_126, %sub3A_127 : i32
          %dma_start3A_129 = arith.constant 0 : i32
          %dma_start3A_130 = tpu.memref_slice %arg6[%sub3A_128, %dma_start3A_129] : memref<20x512xi32, #tpu.memory_space<vmem>> -> memref<1x512xi32, #tpu.memory_space<vmem>>
          %dma_start3A_131 = tpu.memref_squeeze %dma_start3A_130 : memref<1x512xi32, #tpu.memory_space<vmem>> -> memref<512xi32, #tpu.memory_space<vmem>>
          %dma_start3A_132 = arith.constant 0 : i32
          %dma_start3A_133 = arith.constant 0 : i32
          %dma_start3A_134 = tpu.memref_slice %arg2[%dma_start3A_132, %dma_start3A_133] : memref<10000x32xf32, #tpu.memory_space<hbm>> -> memref<10000x32xf32, #tpu.memory_space<hbm>>
          tpu.enqueue_indirect_dma source(%dma_start3A_134 : memref<10000x32xf32, #tpu.memory_space<hbm>>) target(%arg8 : memref<512x32xf32, #tpu.memory_space<vmem>>) offsets(%dma_start3A_131 : memref<512xi32, #tpu.memory_space<vmem>>) semaphore(%arg12 : memref<!tpu.dma_semaphore, #tpu.memory_space<semaphore_mem>>)
        } else {
        }
      } else {
      }
      %jit3A_79 = arith.constant 3 : i32
      %eq3A_80 = arith.constant 0 : i32
      %eq3A_81 = arith.cmpi eq, %jit3A_79, %eq3A_80 : i32
      %jit3A_82 = arith.constant 1 : i32
      %select_n3A_83 = arith.select %eq3A_81, %jit3A_82, %jit3A_79 : i32
      %rem3A_84 = arith.remsi %while3A_40, %select_n3A_83 : i32
      %ne3A_85 = arith.constant 0 : i32
      %ne3A_86 = arith.cmpi ne, %rem3A_84, %ne3A_85 : i32
      %lt3A_87 = arith.constant 0 : i32
      %lt3A_88 = arith.cmpi slt, %rem3A_84, %lt3A_87 : i32
      %lt3A_89 = arith.constant 0 : i32
      %lt3A_90 = arith.cmpi slt, %select_n3A_83, %lt3A_89 : i32
      %ne3A_91 = arith.xori %lt3A_88, %lt3A_90 : i1
      %and3A_92 = arith.andi %ne3A_91, %ne3A_86 : i1
      %add3A_93 = arith.addi %rem3A_84, %select_n3A_83 : i32
      %select_n3A_94 = arith.select %and3A_92, %add3A_93, %rem3A_84 : i32
      %eq3A_95 = arith.constant 2 : i32
      %eq3A_96 = arith.cmpi eq, %select_n3A_94, %eq3A_95 : i32
      %convert_element_type3A_97 = arith.extui %eq3A_96 : i1 to i32
      %cond3A_98 = arith.constant 0 : i32
      %cond3A_99 = arith.cmpi ne, %convert_element_type3A_97, %cond3A_98 : i32
      scf.if %cond3A_99 {
        %add3A_100 = arith.addi %sub3A, %while3A_40 : i32
        %dma_wait3A = arith.constant 0 : i32
        %dma_wait3A_101 = tpu.memref_slice %arg6[%add3A_100, %dma_wait3A] : memref<20x512xi32, #tpu.memory_space<vmem>> -> memref<1x512xi32, #tpu.memory_space<vmem>>
        %dma_wait3A_102 = tpu.memref_squeeze %dma_wait3A_101 : memref<1x512xi32, #tpu.memory_space<vmem>> -> memref<512xi32, #tpu.memory_space<vmem>>
        %dma_wait3A_103 = arith.constant 0 : i32
        %dma_wait3A_104 = arith.constant 0 : i32
        %dma_wait3A_105 = tpu.memref_slice %arg2[%dma_wait3A_103, %dma_wait3A_104] : memref<10000x32xf32, #tpu.memory_space<hbm>> -> memref<10000x32xf32, #tpu.memory_space<hbm>>
        tpu.wait_indirect_dma semaphore(%arg14 : memref<!tpu.dma_semaphore, #tpu.memory_space<semaphore_mem>>) src(%dma_wait3A_105 : memref<10000x32xf32, #tpu.memory_space<hbm>>) dst(%arg10 : memref<512x32xf32, #tpu.memory_space<vmem>>)
        %ge3A = arith.constant 1 : i32
        %ge3A_106 = arith.cmpi sge, %while3A_40, %ge3A : i32
        %convert_element_type3A_107 = arith.extui %ge3A_106 : i1 to i32
        %cond3A_108 = arith.constant 0 : i32
        %cond3A_109 = arith.cmpi ne, %convert_element_type3A_107, %cond3A_108 : i32
        scf.if %cond3A_109 {
          %add3A_124 = arith.addi %sub3A, %while3A_40 : i32
          %sub3A_125 = arith.constant 1 : i32
          %sub3A_126 = arith.subi %add3A_124, %sub3A_125 : i32
          %dma_wait3A_127 = arith.constant 0 : i32
          %dma_wait3A_128 = tpu.memref_slice %arg7[%sub3A_126, %dma_wait3A_127] : memref<20x512xi32, #tpu.memory_space<vmem>> -> memref<1x512xi32, #tpu.memory_space<vmem>>
          %dma_wait3A_129 = tpu.memref_squeeze %dma_wait3A_128 : memref<1x512xi32, #tpu.memory_space<vmem>> -> memref<512xi32, #tpu.memory_space<vmem>>
          %dma_wait3A_130 = arith.constant 0 : i32
          %dma_wait3A_131 = arith.constant 0 : i32
          %dma_wait3A_132 = tpu.memref_slice %arg11[%dma_wait3A_130, %dma_wait3A_131] : memref<10240x32xf32, #tpu.memory_space<vmem_shared>> -> memref<10240x32xf32, #tpu.memory_space<vmem_shared>>
          tpu.wait_indirect_dma semaphore(%arg16 : memref<!tpu.dma_semaphore, #tpu.memory_space<semaphore_mem>>) src(%arg9 : memref<512x32xf32, #tpu.memory_space<vmem>>) dst(%dma_wait3A_132 : memref<10240x32xf32, #tpu.memory_space<vmem_shared>>)
        } else {
        }
        %add3A_110 = arith.addi %sub3A, %while3A_40 : i32
        %dma_start3A = arith.constant 0 : i32
        %dma_start3A_111 = tpu.memref_slice %arg7[%add3A_110, %dma_start3A] : memref<20x512xi32, #tpu.memory_space<vmem>> -> memref<1x512xi32, #tpu.memory_space<vmem>>
        %dma_start3A_112 = tpu.memref_squeeze %dma_start3A_111 : memref<1x512xi32, #tpu.memory_space<vmem>> -> memref<512xi32, #tpu.memory_space<vmem>>
        %dma_start3A_113 = arith.constant 0 : i32
        %dma_start3A_114 = arith.constant 0 : i32
        %dma_start3A_115 = tpu.memref_slice %arg11[%dma_start3A_113, %dma_start3A_114] : memref<10240x32xf32, #tpu.memory_space<vmem_shared>> -> memref<10240x32xf32, #tpu.memory_space<vmem_shared>>
        tpu.enqueue_indirect_dma source(%arg10 : memref<512x32xf32, #tpu.memory_space<vmem>>) target(%dma_start3A_115 : memref<10240x32xf32, #tpu.memory_space<vmem_shared>>) offsets(%dma_start3A_112 : memref<512xi32, #tpu.memory_space<vmem>>) semaphore(%arg17 : memref<!tpu.dma_semaphore, #tpu.memory_space<semaphore_mem>>) {add = true}
        %add3A_116 = arith.constant 3 : i32
        %add3A_117 = arith.addi %while3A_40, %add3A_116 : i32
        %sub3A_118 = arith.constant 1 : i32
        %sub3A_119 = arith.subi %add3A_117, %sub3A_118 : i32
        %lt3A_120 = arith.cmpi slt, %sub3A_119, %add3A_4 : i32
        %convert_element_type3A_121 = arith.extui %lt3A_120 : i1 to i32
        %cond3A_122 = arith.constant 0 : i32
        %cond3A_123 = arith.cmpi ne, %convert_element_type3A_121, %cond3A_122 : i32
        scf.if %cond3A_123 {
          %add3A_124 = arith.addi %sub3A, %while3A_40 : i32
          %add3A_125 = arith.constant 3 : i32
          %add3A_126 = arith.addi %add3A_124, %add3A_125 : i32
          %sub3A_127 = arith.constant 1 : i32
          %sub3A_128 = arith.subi %add3A_126, %sub3A_127 : i32
          %dma_start3A_129 = arith.constant 0 : i32
          %dma_start3A_130 = tpu.memref_slice %arg6[%sub3A_128, %dma_start3A_129] : memref<20x512xi32, #tpu.memory_space<vmem>> -> memref<1x512xi32, #tpu.memory_space<vmem>>
          %dma_start3A_131 = tpu.memref_squeeze %dma_start3A_130 : memref<1x512xi32, #tpu.memory_space<vmem>> -> memref<512xi32, #tpu.memory_space<vmem>>
          %dma_start3A_132 = arith.constant 0 : i32
          %dma_start3A_133 = arith.constant 0 : i32
          %dma_start3A_134 = tpu.memref_slice %arg2[%dma_start3A_132, %dma_start3A_133] : memref<10000x32xf32, #tpu.memory_space<hbm>> -> memref<10000x32xf32, #tpu.memory_space<hbm>>
          tpu.enqueue_indirect_dma source(%dma_start3A_134 : memref<10000x32xf32, #tpu.memory_space<hbm>>) target(%arg9 : memref<512x32xf32, #tpu.memory_space<vmem>>) offsets(%dma_start3A_131 : memref<512xi32, #tpu.memory_space<vmem>>) semaphore(%arg13 : memref<!tpu.dma_semaphore, #tpu.memory_space<semaphore_mem>>)
        } else {
        }
      } else {
      }
    }
    %gt3A_30 = arith.constant 0 : i32
    %gt3A_31 = arith.cmpi sgt, %add3A_4, %gt3A_30 : i32
    %convert_element_type3A_32 = arith.extui %gt3A_31 : i1 to i32
    %cond3A_33 = arith.constant 0 : i32
    %cond3A_34 = arith.cmpi ne, %convert_element_type3A_32, %cond3A_33 : i32
    scf.if %cond3A_34 {
      %sub3A_40 = arith.constant 1 : i32
      %sub3A_41 = arith.subi %add3A_4, %sub3A_40 : i32
      %jit3A_42 = arith.constant 3 : i32
      %eq3A = arith.constant 0 : i32
      %eq3A_43 = arith.cmpi eq, %jit3A_42, %eq3A : i32
      %jit3A_44 = arith.constant 1 : i32
      %select_n3A_45 = arith.select %eq3A_43, %jit3A_44, %jit3A_42 : i32
      %rem3A = arith.remsi %sub3A_41, %select_n3A_45 : i32
      %ne3A = arith.constant 0 : i32
      %ne3A_46 = arith.cmpi ne, %rem3A, %ne3A : i32
      %lt3A_47 = arith.constant 0 : i32
      %lt3A_48 = arith.cmpi slt, %rem3A, %lt3A_47 : i32
      %lt3A_49 = arith.constant 0 : i32
      %lt3A_50 = arith.cmpi slt, %select_n3A_45, %lt3A_49 : i32
      %ne3A_51 = arith.xori %lt3A_48, %lt3A_50 : i1
      %and3A = arith.andi %ne3A_51, %ne3A_46 : i1
      %add3A_52 = arith.addi %rem3A, %select_n3A_45 : i32
      %select_n3A_53 = arith.select %and3A, %add3A_52, %rem3A : i32
      %eq3A_54 = arith.constant 0 : i32
      %eq3A_55 = arith.cmpi eq, %select_n3A_53, %eq3A_54 : i32
      %convert_element_type3A_56 = arith.extui %eq3A_55 : i1 to i32
      %cond3A_57 = arith.constant 0 : i32
      %cond3A_58 = arith.cmpi ne, %convert_element_type3A_56, %cond3A_57 : i32
      scf.if %cond3A_58 {
        %add3A_101 = arith.addi %sub3A, %sub3A_41 : i32
        %dma_wait3A = arith.constant 0 : i32
        %dma_wait3A_102 = tpu.memref_slice %arg7[%add3A_101, %dma_wait3A] : memref<20x512xi32, #tpu.memory_space<vmem>> -> memref<1x512xi32, #tpu.memory_space<vmem>>
        %dma_wait3A_103 = tpu.memref_squeeze %dma_wait3A_102 : memref<1x512xi32, #tpu.memory_space<vmem>> -> memref<512xi32, #tpu.memory_space<vmem>>
        %dma_wait3A_104 = arith.constant 0 : i32
        %dma_wait3A_105 = arith.constant 0 : i32
        %dma_wait3A_106 = tpu.memref_slice %arg11[%dma_wait3A_104, %dma_wait3A_105] : memref<10240x32xf32, #tpu.memory_space<vmem_shared>> -> memref<10240x32xf32, #tpu.memory_space<vmem_shared>>
        tpu.wait_indirect_dma semaphore(%arg15 : memref<!tpu.dma_semaphore, #tpu.memory_space<semaphore_mem>>) src(%arg8 : memref<512x32xf32, #tpu.memory_space<vmem>>) dst(%dma_wait3A_106 : memref<10240x32xf32, #tpu.memory_space<vmem_shared>>)
      } else {
      }
      %jit3A_59 = arith.constant 3 : i32
      %eq3A_60 = arith.constant 0 : i32
      %eq3A_61 = arith.cmpi eq, %jit3A_59, %eq3A_60 : i32
      %jit3A_62 = arith.constant 1 : i32
      %select_n3A_63 = arith.select %eq3A_61, %jit3A_62, %jit3A_59 : i32
      %rem3A_64 = arith.remsi %sub3A_41, %select_n3A_63 : i32
      %ne3A_65 = arith.constant 0 : i32
      %ne3A_66 = arith.cmpi ne, %rem3A_64, %ne3A_65 : i32
      %lt3A_67 = arith.constant 0 : i32
      %lt3A_68 = arith.cmpi slt, %rem3A_64, %lt3A_67 : i32
      %lt3A_69 = arith.constant 0 : i32
      %lt3A_70 = arith.cmpi slt, %select_n3A_63, %lt3A_69 : i32
      %ne3A_71 = arith.xori %lt3A_68, %lt3A_70 : i1
      %and3A_72 = arith.andi %ne3A_71, %ne3A_66 : i1
      %add3A_73 = arith.addi %rem3A_64, %select_n3A_63 : i32
      %select_n3A_74 = arith.select %and3A_72, %add3A_73, %rem3A_64 : i32
      %eq3A_75 = arith.constant 1 : i32
      %eq3A_76 = arith.cmpi eq, %select_n3A_74, %eq3A_75 : i32
      %convert_element_type3A_77 = arith.extui %eq3A_76 : i1 to i32
      %cond3A_78 = arith.constant 0 : i32
      %cond3A_79 = arith.cmpi ne, %convert_element_type3A_77, %cond3A_78 : i32
      scf.if %cond3A_79 {
        %add3A_101 = arith.addi %sub3A, %sub3A_41 : i32
        %dma_wait3A = arith.constant 0 : i32
        %dma_wait3A_102 = tpu.memref_slice %arg7[%add3A_101, %dma_wait3A] : memref<20x512xi32, #tpu.memory_space<vmem>> -> memref<1x512xi32, #tpu.memory_space<vmem>>
        %dma_wait3A_103 = tpu.memref_squeeze %dma_wait3A_102 : memref<1x512xi32, #tpu.memory_space<vmem>> -> memref<512xi32, #tpu.memory_space<vmem>>
        %dma_wait3A_104 = arith.constant 0 : i32
        %dma_wait3A_105 = arith.constant 0 : i32
        %dma_wait3A_106 = tpu.memref_slice %arg11[%dma_wait3A_104, %dma_wait3A_105] : memref<10240x32xf32, #tpu.memory_space<vmem_shared>> -> memref<10240x32xf32, #tpu.memory_space<vmem_shared>>
        tpu.wait_indirect_dma semaphore(%arg16 : memref<!tpu.dma_semaphore, #tpu.memory_space<semaphore_mem>>) src(%arg9 : memref<512x32xf32, #tpu.memory_space<vmem>>) dst(%dma_wait3A_106 : memref<10240x32xf32, #tpu.memory_space<vmem_shared>>)
      } else {
      }
      %jit3A_80 = arith.constant 3 : i32
      %eq3A_81 = arith.constant 0 : i32
      %eq3A_82 = arith.cmpi eq, %jit3A_80, %eq3A_81 : i32
      %jit3A_83 = arith.constant 1 : i32
      %select_n3A_84 = arith.select %eq3A_82, %jit3A_83, %jit3A_80 : i32
      %rem3A_85 = arith.remsi %sub3A_41, %select_n3A_84 : i32
      %ne3A_86 = arith.constant 0 : i32
      %ne3A_87 = arith.cmpi ne, %rem3A_85, %ne3A_86 : i32
      %lt3A_88 = arith.constant 0 : i32
      %lt3A_89 = arith.cmpi slt, %rem3A_85, %lt3A_88 : i32
      %lt3A_90 = arith.constant 0 : i32
      %lt3A_91 = arith.cmpi slt, %select_n3A_84, %lt3A_90 : i32
      %ne3A_92 = arith.xori %lt3A_89, %lt3A_91 : i1
      %and3A_93 = arith.andi %ne3A_92, %ne3A_87 : i1
      %add3A_94 = arith.addi %rem3A_85, %select_n3A_84 : i32
      %select_n3A_95 = arith.select %and3A_93, %add3A_94, %rem3A_85 : i32
      %eq3A_96 = arith.constant 2 : i32
      %eq3A_97 = arith.cmpi eq, %select_n3A_95, %eq3A_96 : i32
      %convert_element_type3A_98 = arith.extui %eq3A_97 : i1 to i32
      %cond3A_99 = arith.constant 0 : i32
      %cond3A_100 = arith.cmpi ne, %convert_element_type3A_98, %cond3A_99 : i32
      scf.if %cond3A_100 {
        %add3A_101 = arith.addi %sub3A, %sub3A_41 : i32
        %dma_wait3A = arith.constant 0 : i32
        %dma_wait3A_102 = tpu.memref_slice %arg7[%add3A_101, %dma_wait3A] : memref<20x512xi32, #tpu.memory_space<vmem>> -> memref<1x512xi32, #tpu.memory_space<vmem>>
        %dma_wait3A_103 = tpu.memref_squeeze %dma_wait3A_102 : memref<1x512xi32, #tpu.memory_space<vmem>> -> memref<512xi32, #tpu.memory_space<vmem>>
        %dma_wait3A_104 = arith.constant 0 : i32
        %dma_wait3A_105 = arith.constant 0 : i32
        %dma_wait3A_106 = tpu.memref_slice %arg11[%dma_wait3A_104, %dma_wait3A_105] : memref<10240x32xf32, #tpu.memory_space<vmem_shared>> -> memref<10240x32xf32, #tpu.memory_space<vmem_shared>>
        tpu.wait_indirect_dma semaphore(%arg17 : memref<!tpu.dma_semaphore, #tpu.memory_space<semaphore_mem>>) src(%arg10 : memref<512x32xf32, #tpu.memory_space<vmem>>) dst(%dma_wait3A_106 : memref<10240x32xf32, #tpu.memory_space<vmem_shared>>)
      } else {
      }
    } else {
    }
    %barrier3A_35 = arith.constant 0 : index
    tpu.barrier barrier_id(%barrier3A_35)
    %mul3A_36 = arith.constant 640 : i32
    %mul3A_37 = arith.muli %arg1, %mul3A_36 : i32
    %mul3A_38 = arith.constant 640 : i32
    %mul3A_39 = arith.muli %arg1, %mul3A_38 : i32
    "tpu.region"() ({
      %run_scoped3A_40 = tpu.sem_alloc : memref<!tpu.dma_semaphore, #tpu.memory_space<semaphore_mem>>
      %dma_start3A = arith.constant 0 : i32
      %dma_start3A_41 = tpu.memref_slice %arg5[%arg0, %mul3A_39, %dma_start3A] : memref<2x10240x32xf32, #tpu.memory_space<hbm>> -> memref<1x640x32xf32, #tpu.memory_space<hbm>>
      %dma_start3A_42 = tpu.memref_squeeze %dma_start3A_41 : memref<1x640x32xf32, #tpu.memory_space<hbm>> -> memref<640x32xf32, #tpu.memory_space<hbm>>
      %dma_start3A_43 = arith.constant 0 : i32
      %dma_start3A_44 = tpu.memref_slice %arg11[%mul3A_37, %dma_start3A_43] : memref<10240x32xf32, #tpu.memory_space<vmem_shared>> -> memref<640x32xf32, #tpu.memory_space<vmem_shared>>
      tpu.enqueue_dma source(%dma_start3A_44 : memref<640x32xf32, #tpu.memory_space<vmem_shared>>) target(%dma_start3A_42 : memref<640x32xf32, #tpu.memory_space<hbm>>) target_semaphore(%run_scoped3A_40 : memref<!tpu.dma_semaphore, #tpu.memory_space<semaphore_mem>>)
      %dma_wait3A = arith.constant 0 : i32
      %dma_wait3A_45 = tpu.memref_slice %arg5[%arg0, %mul3A_39, %dma_wait3A] : memref<2x10240x32xf32, #tpu.memory_space<hbm>> -> memref<1x640x32xf32, #tpu.memory_space<hbm>>
      %dma_wait3A_46 = tpu.memref_squeeze %dma_wait3A_45 : memref<1x640x32xf32, #tpu.memory_space<hbm>> -> memref<640x32xf32, #tpu.memory_space<hbm>>
      %dma_wait3A_47 = arith.constant 0 : i32
      %dma_wait3A_48 = tpu.memref_slice %arg11[%mul3A_37, %dma_wait3A_47] : memref<10240x32xf32, #tpu.memory_space<vmem_shared>> -> memref<640x32xf32, #tpu.memory_space<vmem_shared>>
      tpu.wait_dma2 semaphore(%run_scoped3A_40 : memref<!tpu.dma_semaphore, #tpu.memory_space<semaphore_mem>>) src(%dma_wait3A_48 : memref<640x32xf32, #tpu.memory_space<vmem_shared>>) dst(%dma_wait3A_46 : memref<640x32xf32, #tpu.memory_space<hbm>>)
      tpu.yield
    }) : () -> ()
    return
  }
}

#map = affine_map<(d0, d1) -> (0, 0)>
#map1 = affine_map<(d0, d1) -> (0, 0, 0)>
module attributes {stable_mosaic.version = 14 : i64} {
  func.func @agg_k(%arg0: i32, %arg1: i32, %arg2: memref<10000x64xf32, #tpu.memory_space<hbm>>, %arg3: memref<2x625x512xi32, #tpu.memory_space<hbm>>, %arg4: memref<640x64xf32, #tpu.memory_space<hbm>>, %arg5: memref<2x10240x64xf32, #tpu.memory_space<hbm>>, %arg6: memref<20x512xi32, #tpu.memory_space<vmem>>, %arg7: memref<20x512xi32, #tpu.memory_space<vmem>>, %arg8: memref<512x64xf32, #tpu.memory_space<vmem>>, %arg9: memref<512x64xf32, #tpu.memory_space<vmem>>, %arg10: memref<10240x64xf32, #tpu.memory_space<vmem_shared>>, %arg11: memref<!tpu.dma_semaphore, #tpu.memory_space<semaphore_mem>>, %arg12: memref<!tpu.dma_semaphore, #tpu.memory_space<semaphore_mem>>, %arg13: memref<!tpu.dma_semaphore, #tpu.memory_space<semaphore_mem>>, %arg14: memref<!tpu.dma_semaphore, #tpu.memory_space<semaphore_mem>>) attributes {dimension_semantics = [#tpu.dimension_semantics<core_parallel>, #tpu.dimension_semantics<subcore_parallel>], iteration_bounds = array<i64: 2, 16>, scalar_prefetch = 0 : i64, scratch_operands = 9 : i64, tpu.core_type = #tpu.core_type<sc_vector_subcore>, window_params = [{transform_indices = #map}, {transform_indices = #map1}, {transform_indices = #map}, {transform_indices = #map1}]} {
    %mul3A = arith.constant 16 : i32
    %mul3A_0 = arith.muli %arg0, %mul3A : i32
    %add3A = arith.addi %mul3A_0, %arg1 : i32
    %lt3A = arith.constant 17 : i32
    %lt3A_1 = arith.cmpi slt, %add3A, %lt3A : i32
    %jit3A = arith.constant 1 : i32
    %jit3A_2 = arith.constant 0 : i32
    %select_n3A = arith.select %lt3A_1, %jit3A, %jit3A_2 : i32
    %add3A_3 = arith.constant 19 : i32
    %add3A_4 = arith.addi %add3A_3, %select_n3A : i32
    %mul3A_5 = arith.constant 19 : i32
    %mul3A_6 = arith.muli %add3A, %mul3A_5 : i32
    %min3A = arith.constant 17 : i32
    %min3A_7 = arith.minsi %add3A, %min3A : i32
    %add3A_8 = arith.addi %mul3A_6, %min3A_7 : i32
    %min3A_9 = arith.constant 605 : i32
    %min3A_10 = arith.minsi %add3A_8, %min3A_9 : i32
    %sub3A = arith.subi %add3A_8, %min3A_10 : i32
    %run_scoped3A = arith.constant 0 : i32
    "tpu.region"() ({
      %run_scoped3A_35 = tpu.sem_alloc : memref<!tpu.dma_semaphore, #tpu.memory_space<semaphore_mem>>
      %dma_start3A = arith.constant 0 : i32
      %dma_start3A_36 = tpu.memref_slice %arg3[%run_scoped3A, %min3A_10, %dma_start3A] : memref<2x625x512xi32, #tpu.memory_space<hbm>> -> memref<1x20x512xi32, #tpu.memory_space<hbm>>
      %dma_start3A_37 = tpu.memref_squeeze %dma_start3A_36 : memref<1x20x512xi32, #tpu.memory_space<hbm>> -> memref<20x512xi32, #tpu.memory_space<hbm>>
      %dma_start3A_38 = arith.constant 0 : i32
      %dma_start3A_39 = tpu.memref_slice %arg3[%run_scoped3A, %min3A_10, %dma_start3A_38] : memref<2x625x512xi32, #tpu.memory_space<hbm>> -> memref<1x20x512xi32, #tpu.memory_space<hbm>>
      %dma_start3A_40 = tpu.memref_squeeze %dma_start3A_39 : memref<1x20x512xi32, #tpu.memory_space<hbm>> -> memref<20x512xi32, #tpu.memory_space<hbm>>
      tpu.enqueue_dma source(%dma_start3A_40 : memref<20x512xi32, #tpu.memory_space<hbm>>) target(%arg6 : memref<20x512xi32, #tpu.memory_space<vmem>>) target_semaphore(%run_scoped3A_35 : memref<!tpu.dma_semaphore, #tpu.memory_space<semaphore_mem>>)
      %dma_wait3A = arith.constant 0 : i32
      %dma_wait3A_41 = tpu.memref_slice %arg3[%run_scoped3A, %min3A_10, %dma_wait3A] : memref<2x625x512xi32, #tpu.memory_space<hbm>> -> memref<1x20x512xi32, #tpu.memory_space<hbm>>
      %dma_wait3A_42 = tpu.memref_squeeze %dma_wait3A_41 : memref<1x20x512xi32, #tpu.memory_space<hbm>> -> memref<20x512xi32, #tpu.memory_space<hbm>>
      %dma_wait3A_43 = arith.constant 0 : i32
      %dma_wait3A_44 = tpu.memref_slice %arg3[%run_scoped3A, %min3A_10, %dma_wait3A_43] : memref<2x625x512xi32, #tpu.memory_space<hbm>> -> memref<1x20x512xi32, #tpu.memory_space<hbm>>
      %dma_wait3A_45 = tpu.memref_squeeze %dma_wait3A_44 : memref<1x20x512xi32, #tpu.memory_space<hbm>> -> memref<20x512xi32, #tpu.memory_space<hbm>>
      tpu.wait_dma2 semaphore(%run_scoped3A_35 : memref<!tpu.dma_semaphore, #tpu.memory_space<semaphore_mem>>) src(%dma_wait3A_45 : memref<20x512xi32, #tpu.memory_space<hbm>>) dst(%arg6 : memref<20x512xi32, #tpu.memory_space<vmem>>)
      tpu.yield
    }) : () -> ()
    %run_scoped3A_11 = arith.constant 1 : i32
    "tpu.region"() ({
      %run_scoped3A_35 = tpu.sem_alloc : memref<!tpu.dma_semaphore, #tpu.memory_space<semaphore_mem>>
      %dma_start3A = arith.constant 0 : i32
      %dma_start3A_36 = tpu.memref_slice %arg3[%run_scoped3A_11, %min3A_10, %dma_start3A] : memref<2x625x512xi32, #tpu.memory_space<hbm>> -> memref<1x20x512xi32, #tpu.memory_space<hbm>>
      %dma_start3A_37 = tpu.memref_squeeze %dma_start3A_36 : memref<1x20x512xi32, #tpu.memory_space<hbm>> -> memref<20x512xi32, #tpu.memory_space<hbm>>
      %dma_start3A_38 = arith.constant 0 : i32
      %dma_start3A_39 = tpu.memref_slice %arg3[%run_scoped3A_11, %min3A_10, %dma_start3A_38] : memref<2x625x512xi32, #tpu.memory_space<hbm>> -> memref<1x20x512xi32, #tpu.memory_space<hbm>>
      %dma_start3A_40 = tpu.memref_squeeze %dma_start3A_39 : memref<1x20x512xi32, #tpu.memory_space<hbm>> -> memref<20x512xi32, #tpu.memory_space<hbm>>
      tpu.enqueue_dma source(%dma_start3A_40 : memref<20x512xi32, #tpu.memory_space<hbm>>) target(%arg7 : memref<20x512xi32, #tpu.memory_space<vmem>>) target_semaphore(%run_scoped3A_35 : memref<!tpu.dma_semaphore, #tpu.memory_space<semaphore_mem>>)
      %dma_wait3A = arith.constant 0 : i32
      %dma_wait3A_41 = tpu.memref_slice %arg3[%run_scoped3A_11, %min3A_10, %dma_wait3A] : memref<2x625x512xi32, #tpu.memory_space<hbm>> -> memref<1x20x512xi32, #tpu.memory_space<hbm>>
      %dma_wait3A_42 = tpu.memref_squeeze %dma_wait3A_41 : memref<1x20x512xi32, #tpu.memory_space<hbm>> -> memref<20x512xi32, #tpu.memory_space<hbm>>
      %dma_wait3A_43 = arith.constant 0 : i32
      %dma_wait3A_44 = tpu.memref_slice %arg3[%run_scoped3A_11, %min3A_10, %dma_wait3A_43] : memref<2x625x512xi32, #tpu.memory_space<hbm>> -> memref<1x20x512xi32, #tpu.memory_space<hbm>>
      %dma_wait3A_45 = tpu.memref_squeeze %dma_wait3A_44 : memref<1x20x512xi32, #tpu.memory_space<hbm>> -> memref<20x512xi32, #tpu.memory_space<hbm>>
      tpu.wait_dma2 semaphore(%run_scoped3A_35 : memref<!tpu.dma_semaphore, #tpu.memory_space<semaphore_mem>>) src(%dma_wait3A_45 : memref<20x512xi32, #tpu.memory_space<hbm>>) dst(%arg7 : memref<20x512xi32, #tpu.memory_space<vmem>>)
      tpu.yield
    }) : () -> ()
    %mul3A_12 = arith.constant 640 : i32
    %mul3A_13 = arith.muli %arg1, %mul3A_12 : i32
    "tpu.region"() ({
      %run_scoped3A_35 = tpu.sem_alloc : memref<!tpu.dma_semaphore, #tpu.memory_space<semaphore_mem>>
      %dma_start3A = arith.constant 0 : i32
      %dma_start3A_36 = tpu.memref_slice %arg10[%mul3A_13, %dma_start3A] : memref<10240x64xf32, #tpu.memory_space<vmem_shared>> -> memref<640x64xf32, #tpu.memory_space<vmem_shared>>
      tpu.enqueue_dma source(%arg4 : memref<640x64xf32, #tpu.memory_space<hbm>>) target(%dma_start3A_36 : memref<640x64xf32, #tpu.memory_space<vmem_shared>>) target_semaphore(%run_scoped3A_35 : memref<!tpu.dma_semaphore, #tpu.memory_space<semaphore_mem>>)
      %dma_wait3A = arith.constant 0 : i32
      %dma_wait3A_37 = tpu.memref_slice %arg10[%mul3A_13, %dma_wait3A] : memref<10240x64xf32, #tpu.memory_space<vmem_shared>> -> memref<640x64xf32, #tpu.memory_space<vmem_shared>>
      tpu.wait_dma2 semaphore(%run_scoped3A_35 : memref<!tpu.dma_semaphore, #tpu.memory_space<semaphore_mem>>) src(%arg4 : memref<640x64xf32, #tpu.memory_space<hbm>>) dst(%dma_wait3A_37 : memref<640x64xf32, #tpu.memory_space<vmem_shared>>)
      tpu.yield
    }) : () -> ()
    %barrier3A = arith.constant 0 : index
    tpu.barrier barrier_id(%barrier3A)
    %gt3A = arith.constant 0 : i32
    %gt3A_14 = arith.cmpi sgt, %add3A_4, %gt3A : i32
    %convert_element_type3A = arith.extui %gt3A_14 : i1 to i32
    %cond3A = arith.constant 0 : i32
    %cond3A_15 = arith.cmpi ne, %convert_element_type3A, %cond3A : i32
    scf.if %cond3A_15 {
      %add3A_35 = arith.constant 0 : i32
      %add3A_36 = arith.addi %sub3A, %add3A_35 : i32
      %dma_start3A = arith.constant 0 : i32
      %dma_start3A_37 = tpu.memref_slice %arg6[%add3A_36, %dma_start3A] : memref<20x512xi32, #tpu.memory_space<vmem>> -> memref<1x512xi32, #tpu.memory_space<vmem>>
      %dma_start3A_38 = tpu.memref_squeeze %dma_start3A_37 : memref<1x512xi32, #tpu.memory_space<vmem>> -> memref<512xi32, #tpu.memory_space<vmem>>
      %dma_start3A_39 = arith.constant 0 : i32
      %dma_start3A_40 = arith.constant 0 : i32
      %dma_start3A_41 = tpu.memref_slice %arg2[%dma_start3A_39, %dma_start3A_40] : memref<10000x64xf32, #tpu.memory_space<hbm>> -> memref<10000x64xf32, #tpu.memory_space<hbm>>
      tpu.enqueue_indirect_dma source(%dma_start3A_41 : memref<10000x64xf32, #tpu.memory_space<hbm>>) target(%arg8 : memref<512x64xf32, #tpu.memory_space<vmem>>) offsets(%dma_start3A_38 : memref<512xi32, #tpu.memory_space<vmem>>) semaphore(%arg11 : memref<!tpu.dma_semaphore, #tpu.memory_space<semaphore_mem>>)
    } else {
    }
    %while3A = arith.constant 0 : i32
    %while3A_16 = arith.constant 0 : i32
    %while3A_17 = arith.subi %add3A_4, %while3A_16 : i32
    %while3A_18 = arith.addi %while3A_16, %while3A_17 : i32
    %while3A_19 = arith.constant 1 : i32
    %while3A_20 = arith.divsi %while3A_17, %while3A_19 : i32
    %while3A_21 = arith.muli %while3A_20, %while3A_19 : i32
    %while3A_22 = arith.addi %while3A_16, %while3A_21 : i32
    %while3A_23 = arith.constant 1 : i32
    scf.for %while3A_35 = %while3A_16 to %while3A_22 step %while3A_23  : i32 {
      %jit3A_36 = arith.constant 2 : i32
      %eq3A = arith.constant 0 : i32
      %eq3A_37 = arith.cmpi eq, %jit3A_36, %eq3A : i32
      %jit3A_38 = arith.constant 1 : i32
      %select_n3A_39 = arith.select %eq3A_37, %jit3A_38, %jit3A_36 : i32
      %rem3A = arith.remsi %while3A_35, %select_n3A_39 : i32
      %ne3A = arith.constant 0 : i32
      %ne3A_40 = arith.cmpi ne, %rem3A, %ne3A : i32
      %lt3A_41 = arith.constant 0 : i32
      %lt3A_42 = arith.cmpi slt, %rem3A, %lt3A_41 : i32
      %lt3A_43 = arith.constant 0 : i32
      %lt3A_44 = arith.cmpi slt, %select_n3A_39, %lt3A_43 : i32
      %ne3A_45 = arith.xori %lt3A_42, %lt3A_44 : i1
      %and3A = arith.andi %ne3A_45, %ne3A_40 : i1
      %add3A_46 = arith.addi %rem3A, %select_n3A_39 : i32
      %select_n3A_47 = arith.select %and3A, %add3A_46, %rem3A : i32
      %eq3A_48 = arith.constant 0 : i32
      %eq3A_49 = arith.cmpi eq, %select_n3A_47, %eq3A_48 : i32
      %convert_element_type3A_50 = arith.extui %eq3A_49 : i1 to i32
      %cond3A_51 = arith.constant 0 : i32
      %cond3A_52 = arith.cmpi ne, %convert_element_type3A_50, %cond3A_51 : i32
      scf.if %cond3A_52 {
        %add3A_74 = arith.addi %sub3A, %while3A_35 : i32
        %dma_wait3A = arith.constant 0 : i32
        %dma_wait3A_75 = tpu.memref_slice %arg6[%add3A_74, %dma_wait3A] : memref<20x512xi32, #tpu.memory_space<vmem>> -> memref<1x512xi32, #tpu.memory_space<vmem>>
        %dma_wait3A_76 = tpu.memref_squeeze %dma_wait3A_75 : memref<1x512xi32, #tpu.memory_space<vmem>> -> memref<512xi32, #tpu.memory_space<vmem>>
        %dma_wait3A_77 = arith.constant 0 : i32
        %dma_wait3A_78 = arith.constant 0 : i32
        %dma_wait3A_79 = tpu.memref_slice %arg2[%dma_wait3A_77, %dma_wait3A_78] : memref<10000x64xf32, #tpu.memory_space<hbm>> -> memref<10000x64xf32, #tpu.memory_space<hbm>>
        tpu.wait_indirect_dma semaphore(%arg11 : memref<!tpu.dma_semaphore, #tpu.memory_space<semaphore_mem>>) src(%dma_wait3A_79 : memref<10000x64xf32, #tpu.memory_space<hbm>>) dst(%arg8 : memref<512x64xf32, #tpu.memory_space<vmem>>)
        %ge3A = arith.constant 1 : i32
        %ge3A_80 = arith.cmpi sge, %while3A_35, %ge3A : i32
        %convert_element_type3A_81 = arith.extui %ge3A_80 : i1 to i32
        %cond3A_82 = arith.constant 0 : i32
        %cond3A_83 = arith.cmpi ne, %convert_element_type3A_81, %cond3A_82 : i32
        scf.if %cond3A_83 {
          %add3A_98 = arith.addi %sub3A, %while3A_35 : i32
          %sub3A_99 = arith.constant 1 : i32
          %sub3A_100 = arith.subi %add3A_98, %sub3A_99 : i32
          %dma_wait3A_101 = arith.constant 0 : i32
          %dma_wait3A_102 = tpu.memref_slice %arg7[%sub3A_100, %dma_wait3A_101] : memref<20x512xi32, #tpu.memory_space<vmem>> -> memref<1x512xi32, #tpu.memory_space<vmem>>
          %dma_wait3A_103 = tpu.memref_squeeze %dma_wait3A_102 : memref<1x512xi32, #tpu.memory_space<vmem>> -> memref<512xi32, #tpu.memory_space<vmem>>
          %dma_wait3A_104 = arith.constant 0 : i32
          %dma_wait3A_105 = arith.constant 0 : i32
          %dma_wait3A_106 = tpu.memref_slice %arg10[%dma_wait3A_104, %dma_wait3A_105] : memref<10240x64xf32, #tpu.memory_space<vmem_shared>> -> memref<10240x64xf32, #tpu.memory_space<vmem_shared>>
          tpu.wait_indirect_dma semaphore(%arg14 : memref<!tpu.dma_semaphore, #tpu.memory_space<semaphore_mem>>) src(%arg9 : memref<512x64xf32, #tpu.memory_space<vmem>>) dst(%dma_wait3A_106 : memref<10240x64xf32, #tpu.memory_space<vmem_shared>>)
        } else {
        }
        %add3A_84 = arith.addi %sub3A, %while3A_35 : i32
        %dma_start3A = arith.constant 0 : i32
        %dma_start3A_85 = tpu.memref_slice %arg7[%add3A_84, %dma_start3A] : memref<20x512xi32, #tpu.memory_space<vmem>> -> memref<1x512xi32, #tpu.memory_space<vmem>>
        %dma_start3A_86 = tpu.memref_squeeze %dma_start3A_85 : memref<1x512xi32, #tpu.memory_space<vmem>> -> memref<512xi32, #tpu.memory_space<vmem>>
        %dma_start3A_87 = arith.constant 0 : i32
        %dma_start3A_88 = arith.constant 0 : i32
        %dma_start3A_89 = tpu.memref_slice %arg10[%dma_start3A_87, %dma_start3A_88] : memref<10240x64xf32, #tpu.memory_space<vmem_shared>> -> memref<10240x64xf32, #tpu.memory_space<vmem_shared>>
        tpu.enqueue_indirect_dma source(%arg8 : memref<512x64xf32, #tpu.memory_space<vmem>>) target(%dma_start3A_89 : memref<10240x64xf32, #tpu.memory_space<vmem_shared>>) offsets(%dma_start3A_86 : memref<512xi32, #tpu.memory_space<vmem>>) semaphore(%arg13 : memref<!tpu.dma_semaphore, #tpu.memory_space<semaphore_mem>>) {add = true}
        %add3A_90 = arith.constant 2 : i32
        %add3A_91 = arith.addi %while3A_35, %add3A_90 : i32
        %sub3A_92 = arith.constant 1 : i32
        %sub3A_93 = arith.subi %add3A_91, %sub3A_92 : i32
        %lt3A_94 = arith.cmpi slt, %sub3A_93, %add3A_4 : i32
        %convert_element_type3A_95 = arith.extui %lt3A_94 : i1 to i32
        %cond3A_96 = arith.constant 0 : i32
        %cond3A_97 = arith.cmpi ne, %convert_element_type3A_95, %cond3A_96 : i32
        scf.if %cond3A_97 {
          %add3A_98 = arith.addi %sub3A, %while3A_35 : i32
          %add3A_99 = arith.constant 2 : i32
          %add3A_100 = arith.addi %add3A_98, %add3A_99 : i32
          %sub3A_101 = arith.constant 1 : i32
          %sub3A_102 = arith.subi %add3A_100, %sub3A_101 : i32
          %dma_start3A_103 = arith.constant 0 : i32
          %dma_start3A_104 = tpu.memref_slice %arg6[%sub3A_102, %dma_start3A_103] : memref<20x512xi32, #tpu.memory_space<vmem>> -> memref<1x512xi32, #tpu.memory_space<vmem>>
          %dma_start3A_105 = tpu.memref_squeeze %dma_start3A_104 : memref<1x512xi32, #tpu.memory_space<vmem>> -> memref<512xi32, #tpu.memory_space<vmem>>
          %dma_start3A_106 = arith.constant 0 : i32
          %dma_start3A_107 = arith.constant 0 : i32
          %dma_start3A_108 = tpu.memref_slice %arg2[%dma_start3A_106, %dma_start3A_107] : memref<10000x64xf32, #tpu.memory_space<hbm>> -> memref<10000x64xf32, #tpu.memory_space<hbm>>
          tpu.enqueue_indirect_dma source(%dma_start3A_108 : memref<10000x64xf32, #tpu.memory_space<hbm>>) target(%arg9 : memref<512x64xf32, #tpu.memory_space<vmem>>) offsets(%dma_start3A_105 : memref<512xi32, #tpu.memory_space<vmem>>) semaphore(%arg12 : memref<!tpu.dma_semaphore, #tpu.memory_space<semaphore_mem>>)
        } else {
        }
      } else {
      }
      %jit3A_53 = arith.constant 2 : i32
      %eq3A_54 = arith.constant 0 : i32
      %eq3A_55 = arith.cmpi eq, %jit3A_53, %eq3A_54 : i32
      %jit3A_56 = arith.constant 1 : i32
      %select_n3A_57 = arith.select %eq3A_55, %jit3A_56, %jit3A_53 : i32
      %rem3A_58 = arith.remsi %while3A_35, %select_n3A_57 : i32
      %ne3A_59 = arith.constant 0 : i32
      %ne3A_60 = arith.cmpi ne, %rem3A_58, %ne3A_59 : i32
      %lt3A_61 = arith.constant 0 : i32
      %lt3A_62 = arith.cmpi slt, %rem3A_58, %lt3A_61 : i32
      %lt3A_63 = arith.constant 0 : i32
      %lt3A_64 = arith.cmpi slt, %select_n3A_57, %lt3A_63 : i32
      %ne3A_65 = arith.xori %lt3A_62, %lt3A_64 : i1
      %and3A_66 = arith.andi %ne3A_65, %ne3A_60 : i1
      %add3A_67 = arith.addi %rem3A_58, %select_n3A_57 : i32
      %select_n3A_68 = arith.select %and3A_66, %add3A_67, %rem3A_58 : i32
      %eq3A_69 = arith.constant 1 : i32
      %eq3A_70 = arith.cmpi eq, %select_n3A_68, %eq3A_69 : i32
      %convert_element_type3A_71 = arith.extui %eq3A_70 : i1 to i32
      %cond3A_72 = arith.constant 0 : i32
      %cond3A_73 = arith.cmpi ne, %convert_element_type3A_71, %cond3A_72 : i32
      scf.if %cond3A_73 {
        %add3A_74 = arith.addi %sub3A, %while3A_35 : i32
        %dma_wait3A = arith.constant 0 : i32
        %dma_wait3A_75 = tpu.memref_slice %arg6[%add3A_74, %dma_wait3A] : memref<20x512xi32, #tpu.memory_space<vmem>> -> memref<1x512xi32, #tpu.memory_space<vmem>>
        %dma_wait3A_76 = tpu.memref_squeeze %dma_wait3A_75 : memref<1x512xi32, #tpu.memory_space<vmem>> -> memref<512xi32, #tpu.memory_space<vmem>>
        %dma_wait3A_77 = arith.constant 0 : i32
        %dma_wait3A_78 = arith.constant 0 : i32
        %dma_wait3A_79 = tpu.memref_slice %arg2[%dma_wait3A_77, %dma_wait3A_78] : memref<10000x64xf32, #tpu.memory_space<hbm>> -> memref<10000x64xf32, #tpu.memory_space<hbm>>
        tpu.wait_indirect_dma semaphore(%arg12 : memref<!tpu.dma_semaphore, #tpu.memory_space<semaphore_mem>>) src(%dma_wait3A_79 : memref<10000x64xf32, #tpu.memory_space<hbm>>) dst(%arg9 : memref<512x64xf32, #tpu.memory_space<vmem>>)
        %ge3A = arith.constant 1 : i32
        %ge3A_80 = arith.cmpi sge, %while3A_35, %ge3A : i32
        %convert_element_type3A_81 = arith.extui %ge3A_80 : i1 to i32
        %cond3A_82 = arith.constant 0 : i32
        %cond3A_83 = arith.cmpi ne, %convert_element_type3A_81, %cond3A_82 : i32
        scf.if %cond3A_83 {
          %add3A_98 = arith.addi %sub3A, %while3A_35 : i32
          %sub3A_99 = arith.constant 1 : i32
          %sub3A_100 = arith.subi %add3A_98, %sub3A_99 : i32
          %dma_wait3A_101 = arith.constant 0 : i32
          %dma_wait3A_102 = tpu.memref_slice %arg7[%sub3A_100, %dma_wait3A_101] : memref<20x512xi32, #tpu.memory_space<vmem>> -> memref<1x512xi32, #tpu.memory_space<vmem>>
          %dma_wait3A_103 = tpu.memref_squeeze %dma_wait3A_102 : memref<1x512xi32, #tpu.memory_space<vmem>> -> memref<512xi32, #tpu.memory_space<vmem>>
          %dma_wait3A_104 = arith.constant 0 : i32
          %dma_wait3A_105 = arith.constant 0 : i32
          %dma_wait3A_106 = tpu.memref_slice %arg10[%dma_wait3A_104, %dma_wait3A_105] : memref<10240x64xf32, #tpu.memory_space<vmem_shared>> -> memref<10240x64xf32, #tpu.memory_space<vmem_shared>>
          tpu.wait_indirect_dma semaphore(%arg13 : memref<!tpu.dma_semaphore, #tpu.memory_space<semaphore_mem>>) src(%arg8 : memref<512x64xf32, #tpu.memory_space<vmem>>) dst(%dma_wait3A_106 : memref<10240x64xf32, #tpu.memory_space<vmem_shared>>)
        } else {
        }
        %add3A_84 = arith.addi %sub3A, %while3A_35 : i32
        %dma_start3A = arith.constant 0 : i32
        %dma_start3A_85 = tpu.memref_slice %arg7[%add3A_84, %dma_start3A] : memref<20x512xi32, #tpu.memory_space<vmem>> -> memref<1x512xi32, #tpu.memory_space<vmem>>
        %dma_start3A_86 = tpu.memref_squeeze %dma_start3A_85 : memref<1x512xi32, #tpu.memory_space<vmem>> -> memref<512xi32, #tpu.memory_space<vmem>>
        %dma_start3A_87 = arith.constant 0 : i32
        %dma_start3A_88 = arith.constant 0 : i32
        %dma_start3A_89 = tpu.memref_slice %arg10[%dma_start3A_87, %dma_start3A_88] : memref<10240x64xf32, #tpu.memory_space<vmem_shared>> -> memref<10240x64xf32, #tpu.memory_space<vmem_shared>>
        tpu.enqueue_indirect_dma source(%arg9 : memref<512x64xf32, #tpu.memory_space<vmem>>) target(%dma_start3A_89 : memref<10240x64xf32, #tpu.memory_space<vmem_shared>>) offsets(%dma_start3A_86 : memref<512xi32, #tpu.memory_space<vmem>>) semaphore(%arg14 : memref<!tpu.dma_semaphore, #tpu.memory_space<semaphore_mem>>) {add = true}
        %add3A_90 = arith.constant 2 : i32
        %add3A_91 = arith.addi %while3A_35, %add3A_90 : i32
        %sub3A_92 = arith.constant 1 : i32
        %sub3A_93 = arith.subi %add3A_91, %sub3A_92 : i32
        %lt3A_94 = arith.cmpi slt, %sub3A_93, %add3A_4 : i32
        %convert_element_type3A_95 = arith.extui %lt3A_94 : i1 to i32
        %cond3A_96 = arith.constant 0 : i32
        %cond3A_97 = arith.cmpi ne, %convert_element_type3A_95, %cond3A_96 : i32
        scf.if %cond3A_97 {
          %add3A_98 = arith.addi %sub3A, %while3A_35 : i32
          %add3A_99 = arith.constant 2 : i32
          %add3A_100 = arith.addi %add3A_98, %add3A_99 : i32
          %sub3A_101 = arith.constant 1 : i32
          %sub3A_102 = arith.subi %add3A_100, %sub3A_101 : i32
          %dma_start3A_103 = arith.constant 0 : i32
          %dma_start3A_104 = tpu.memref_slice %arg6[%sub3A_102, %dma_start3A_103] : memref<20x512xi32, #tpu.memory_space<vmem>> -> memref<1x512xi32, #tpu.memory_space<vmem>>
          %dma_start3A_105 = tpu.memref_squeeze %dma_start3A_104 : memref<1x512xi32, #tpu.memory_space<vmem>> -> memref<512xi32, #tpu.memory_space<vmem>>
          %dma_start3A_106 = arith.constant 0 : i32
          %dma_start3A_107 = arith.constant 0 : i32
          %dma_start3A_108 = tpu.memref_slice %arg2[%dma_start3A_106, %dma_start3A_107] : memref<10000x64xf32, #tpu.memory_space<hbm>> -> memref<10000x64xf32, #tpu.memory_space<hbm>>
          tpu.enqueue_indirect_dma source(%dma_start3A_108 : memref<10000x64xf32, #tpu.memory_space<hbm>>) target(%arg8 : memref<512x64xf32, #tpu.memory_space<vmem>>) offsets(%dma_start3A_105 : memref<512xi32, #tpu.memory_space<vmem>>) semaphore(%arg11 : memref<!tpu.dma_semaphore, #tpu.memory_space<semaphore_mem>>)
        } else {
        }
      } else {
      }
    }
    %while3A_24 = arith.constant 1 : i32
    scf.for %while3A_35 = %while3A_22 to %while3A_18 step %while3A_24  : i32 {
      %jit3A_36 = arith.constant 2 : i32
      %eq3A = arith.constant 0 : i32
      %eq3A_37 = arith.cmpi eq, %jit3A_36, %eq3A : i32
      %jit3A_38 = arith.constant 1 : i32
      %select_n3A_39 = arith.select %eq3A_37, %jit3A_38, %jit3A_36 : i32
      %rem3A = arith.remsi %while3A_35, %select_n3A_39 : i32
      %ne3A = arith.constant 0 : i32
      %ne3A_40 = arith.cmpi ne, %rem3A, %ne3A : i32
      %lt3A_41 = arith.constant 0 : i32
      %lt3A_42 = arith.cmpi slt, %rem3A, %lt3A_41 : i32
      %lt3A_43 = arith.constant 0 : i32
      %lt3A_44 = arith.cmpi slt, %select_n3A_39, %lt3A_43 : i32
      %ne3A_45 = arith.xori %lt3A_42, %lt3A_44 : i1
      %and3A = arith.andi %ne3A_45, %ne3A_40 : i1
      %add3A_46 = arith.addi %rem3A, %select_n3A_39 : i32
      %select_n3A_47 = arith.select %and3A, %add3A_46, %rem3A : i32
      %eq3A_48 = arith.constant 0 : i32
      %eq3A_49 = arith.cmpi eq, %select_n3A_47, %eq3A_48 : i32
      %convert_element_type3A_50 = arith.extui %eq3A_49 : i1 to i32
      %cond3A_51 = arith.constant 0 : i32
      %cond3A_52 = arith.cmpi ne, %convert_element_type3A_50, %cond3A_51 : i32
      scf.if %cond3A_52 {
        %add3A_74 = arith.addi %sub3A, %while3A_35 : i32
        %dma_wait3A = arith.constant 0 : i32
        %dma_wait3A_75 = tpu.memref_slice %arg6[%add3A_74, %dma_wait3A] : memref<20x512xi32, #tpu.memory_space<vmem>> -> memref<1x512xi32, #tpu.memory_space<vmem>>
        %dma_wait3A_76 = tpu.memref_squeeze %dma_wait3A_75 : memref<1x512xi32, #tpu.memory_space<vmem>> -> memref<512xi32, #tpu.memory_space<vmem>>
        %dma_wait3A_77 = arith.constant 0 : i32
        %dma_wait3A_78 = arith.constant 0 : i32
        %dma_wait3A_79 = tpu.memref_slice %arg2[%dma_wait3A_77, %dma_wait3A_78] : memref<10000x64xf32, #tpu.memory_space<hbm>> -> memref<10000x64xf32, #tpu.memory_space<hbm>>
        tpu.wait_indirect_dma semaphore(%arg11 : memref<!tpu.dma_semaphore, #tpu.memory_space<semaphore_mem>>) src(%dma_wait3A_79 : memref<10000x64xf32, #tpu.memory_space<hbm>>) dst(%arg8 : memref<512x64xf32, #tpu.memory_space<vmem>>)
        %ge3A = arith.constant 1 : i32
        %ge3A_80 = arith.cmpi sge, %while3A_35, %ge3A : i32
        %convert_element_type3A_81 = arith.extui %ge3A_80 : i1 to i32
        %cond3A_82 = arith.constant 0 : i32
        %cond3A_83 = arith.cmpi ne, %convert_element_type3A_81, %cond3A_82 : i32
        scf.if %cond3A_83 {
          %add3A_98 = arith.addi %sub3A, %while3A_35 : i32
          %sub3A_99 = arith.constant 1 : i32
          %sub3A_100 = arith.subi %add3A_98, %sub3A_99 : i32
          %dma_wait3A_101 = arith.constant 0 : i32
          %dma_wait3A_102 = tpu.memref_slice %arg7[%sub3A_100, %dma_wait3A_101] : memref<20x512xi32, #tpu.memory_space<vmem>> -> memref<1x512xi32, #tpu.memory_space<vmem>>
          %dma_wait3A_103 = tpu.memref_squeeze %dma_wait3A_102 : memref<1x512xi32, #tpu.memory_space<vmem>> -> memref<512xi32, #tpu.memory_space<vmem>>
          %dma_wait3A_104 = arith.constant 0 : i32
          %dma_wait3A_105 = arith.constant 0 : i32
          %dma_wait3A_106 = tpu.memref_slice %arg10[%dma_wait3A_104, %dma_wait3A_105] : memref<10240x64xf32, #tpu.memory_space<vmem_shared>> -> memref<10240x64xf32, #tpu.memory_space<vmem_shared>>
          tpu.wait_indirect_dma semaphore(%arg14 : memref<!tpu.dma_semaphore, #tpu.memory_space<semaphore_mem>>) src(%arg9 : memref<512x64xf32, #tpu.memory_space<vmem>>) dst(%dma_wait3A_106 : memref<10240x64xf32, #tpu.memory_space<vmem_shared>>)
        } else {
        }
        %add3A_84 = arith.addi %sub3A, %while3A_35 : i32
        %dma_start3A = arith.constant 0 : i32
        %dma_start3A_85 = tpu.memref_slice %arg7[%add3A_84, %dma_start3A] : memref<20x512xi32, #tpu.memory_space<vmem>> -> memref<1x512xi32, #tpu.memory_space<vmem>>
        %dma_start3A_86 = tpu.memref_squeeze %dma_start3A_85 : memref<1x512xi32, #tpu.memory_space<vmem>> -> memref<512xi32, #tpu.memory_space<vmem>>
        %dma_start3A_87 = arith.constant 0 : i32
        %dma_start3A_88 = arith.constant 0 : i32
        %dma_start3A_89 = tpu.memref_slice %arg10[%dma_start3A_87, %dma_start3A_88] : memref<10240x64xf32, #tpu.memory_space<vmem_shared>> -> memref<10240x64xf32, #tpu.memory_space<vmem_shared>>
        tpu.enqueue_indirect_dma source(%arg8 : memref<512x64xf32, #tpu.memory_space<vmem>>) target(%dma_start3A_89 : memref<10240x64xf32, #tpu.memory_space<vmem_shared>>) offsets(%dma_start3A_86 : memref<512xi32, #tpu.memory_space<vmem>>) semaphore(%arg13 : memref<!tpu.dma_semaphore, #tpu.memory_space<semaphore_mem>>) {add = true}
        %add3A_90 = arith.constant 2 : i32
        %add3A_91 = arith.addi %while3A_35, %add3A_90 : i32
        %sub3A_92 = arith.constant 1 : i32
        %sub3A_93 = arith.subi %add3A_91, %sub3A_92 : i32
        %lt3A_94 = arith.cmpi slt, %sub3A_93, %add3A_4 : i32
        %convert_element_type3A_95 = arith.extui %lt3A_94 : i1 to i32
        %cond3A_96 = arith.constant 0 : i32
        %cond3A_97 = arith.cmpi ne, %convert_element_type3A_95, %cond3A_96 : i32
        scf.if %cond3A_97 {
          %add3A_98 = arith.addi %sub3A, %while3A_35 : i32
          %add3A_99 = arith.constant 2 : i32
          %add3A_100 = arith.addi %add3A_98, %add3A_99 : i32
          %sub3A_101 = arith.constant 1 : i32
          %sub3A_102 = arith.subi %add3A_100, %sub3A_101 : i32
          %dma_start3A_103 = arith.constant 0 : i32
          %dma_start3A_104 = tpu.memref_slice %arg6[%sub3A_102, %dma_start3A_103] : memref<20x512xi32, #tpu.memory_space<vmem>> -> memref<1x512xi32, #tpu.memory_space<vmem>>
          %dma_start3A_105 = tpu.memref_squeeze %dma_start3A_104 : memref<1x512xi32, #tpu.memory_space<vmem>> -> memref<512xi32, #tpu.memory_space<vmem>>
          %dma_start3A_106 = arith.constant 0 : i32
          %dma_start3A_107 = arith.constant 0 : i32
          %dma_start3A_108 = tpu.memref_slice %arg2[%dma_start3A_106, %dma_start3A_107] : memref<10000x64xf32, #tpu.memory_space<hbm>> -> memref<10000x64xf32, #tpu.memory_space<hbm>>
          tpu.enqueue_indirect_dma source(%dma_start3A_108 : memref<10000x64xf32, #tpu.memory_space<hbm>>) target(%arg9 : memref<512x64xf32, #tpu.memory_space<vmem>>) offsets(%dma_start3A_105 : memref<512xi32, #tpu.memory_space<vmem>>) semaphore(%arg12 : memref<!tpu.dma_semaphore, #tpu.memory_space<semaphore_mem>>)
        } else {
        }
      } else {
      }
      %jit3A_53 = arith.constant 2 : i32
      %eq3A_54 = arith.constant 0 : i32
      %eq3A_55 = arith.cmpi eq, %jit3A_53, %eq3A_54 : i32
      %jit3A_56 = arith.constant 1 : i32
      %select_n3A_57 = arith.select %eq3A_55, %jit3A_56, %jit3A_53 : i32
      %rem3A_58 = arith.remsi %while3A_35, %select_n3A_57 : i32
      %ne3A_59 = arith.constant 0 : i32
      %ne3A_60 = arith.cmpi ne, %rem3A_58, %ne3A_59 : i32
      %lt3A_61 = arith.constant 0 : i32
      %lt3A_62 = arith.cmpi slt, %rem3A_58, %lt3A_61 : i32
      %lt3A_63 = arith.constant 0 : i32
      %lt3A_64 = arith.cmpi slt, %select_n3A_57, %lt3A_63 : i32
      %ne3A_65 = arith.xori %lt3A_62, %lt3A_64 : i1
      %and3A_66 = arith.andi %ne3A_65, %ne3A_60 : i1
      %add3A_67 = arith.addi %rem3A_58, %select_n3A_57 : i32
      %select_n3A_68 = arith.select %and3A_66, %add3A_67, %rem3A_58 : i32
      %eq3A_69 = arith.constant 1 : i32
      %eq3A_70 = arith.cmpi eq, %select_n3A_68, %eq3A_69 : i32
      %convert_element_type3A_71 = arith.extui %eq3A_70 : i1 to i32
      %cond3A_72 = arith.constant 0 : i32
      %cond3A_73 = arith.cmpi ne, %convert_element_type3A_71, %cond3A_72 : i32
      scf.if %cond3A_73 {
        %add3A_74 = arith.addi %sub3A, %while3A_35 : i32
        %dma_wait3A = arith.constant 0 : i32
        %dma_wait3A_75 = tpu.memref_slice %arg6[%add3A_74, %dma_wait3A] : memref<20x512xi32, #tpu.memory_space<vmem>> -> memref<1x512xi32, #tpu.memory_space<vmem>>
        %dma_wait3A_76 = tpu.memref_squeeze %dma_wait3A_75 : memref<1x512xi32, #tpu.memory_space<vmem>> -> memref<512xi32, #tpu.memory_space<vmem>>
        %dma_wait3A_77 = arith.constant 0 : i32
        %dma_wait3A_78 = arith.constant 0 : i32
        %dma_wait3A_79 = tpu.memref_slice %arg2[%dma_wait3A_77, %dma_wait3A_78] : memref<10000x64xf32, #tpu.memory_space<hbm>> -> memref<10000x64xf32, #tpu.memory_space<hbm>>
        tpu.wait_indirect_dma semaphore(%arg12 : memref<!tpu.dma_semaphore, #tpu.memory_space<semaphore_mem>>) src(%dma_wait3A_79 : memref<10000x64xf32, #tpu.memory_space<hbm>>) dst(%arg9 : memref<512x64xf32, #tpu.memory_space<vmem>>)
        %ge3A = arith.constant 1 : i32
        %ge3A_80 = arith.cmpi sge, %while3A_35, %ge3A : i32
        %convert_element_type3A_81 = arith.extui %ge3A_80 : i1 to i32
        %cond3A_82 = arith.constant 0 : i32
        %cond3A_83 = arith.cmpi ne, %convert_element_type3A_81, %cond3A_82 : i32
        scf.if %cond3A_83 {
          %add3A_98 = arith.addi %sub3A, %while3A_35 : i32
          %sub3A_99 = arith.constant 1 : i32
          %sub3A_100 = arith.subi %add3A_98, %sub3A_99 : i32
          %dma_wait3A_101 = arith.constant 0 : i32
          %dma_wait3A_102 = tpu.memref_slice %arg7[%sub3A_100, %dma_wait3A_101] : memref<20x512xi32, #tpu.memory_space<vmem>> -> memref<1x512xi32, #tpu.memory_space<vmem>>
          %dma_wait3A_103 = tpu.memref_squeeze %dma_wait3A_102 : memref<1x512xi32, #tpu.memory_space<vmem>> -> memref<512xi32, #tpu.memory_space<vmem>>
          %dma_wait3A_104 = arith.constant 0 : i32
          %dma_wait3A_105 = arith.constant 0 : i32
          %dma_wait3A_106 = tpu.memref_slice %arg10[%dma_wait3A_104, %dma_wait3A_105] : memref<10240x64xf32, #tpu.memory_space<vmem_shared>> -> memref<10240x64xf32, #tpu.memory_space<vmem_shared>>
          tpu.wait_indirect_dma semaphore(%arg13 : memref<!tpu.dma_semaphore, #tpu.memory_space<semaphore_mem>>) src(%arg8 : memref<512x64xf32, #tpu.memory_space<vmem>>) dst(%dma_wait3A_106 : memref<10240x64xf32, #tpu.memory_space<vmem_shared>>)
        } else {
        }
        %add3A_84 = arith.addi %sub3A, %while3A_35 : i32
        %dma_start3A = arith.constant 0 : i32
        %dma_start3A_85 = tpu.memref_slice %arg7[%add3A_84, %dma_start3A] : memref<20x512xi32, #tpu.memory_space<vmem>> -> memref<1x512xi32, #tpu.memory_space<vmem>>
        %dma_start3A_86 = tpu.memref_squeeze %dma_start3A_85 : memref<1x512xi32, #tpu.memory_space<vmem>> -> memref<512xi32, #tpu.memory_space<vmem>>
        %dma_start3A_87 = arith.constant 0 : i32
        %dma_start3A_88 = arith.constant 0 : i32
        %dma_start3A_89 = tpu.memref_slice %arg10[%dma_start3A_87, %dma_start3A_88] : memref<10240x64xf32, #tpu.memory_space<vmem_shared>> -> memref<10240x64xf32, #tpu.memory_space<vmem_shared>>
        tpu.enqueue_indirect_dma source(%arg9 : memref<512x64xf32, #tpu.memory_space<vmem>>) target(%dma_start3A_89 : memref<10240x64xf32, #tpu.memory_space<vmem_shared>>) offsets(%dma_start3A_86 : memref<512xi32, #tpu.memory_space<vmem>>) semaphore(%arg14 : memref<!tpu.dma_semaphore, #tpu.memory_space<semaphore_mem>>) {add = true}
        %add3A_90 = arith.constant 2 : i32
        %add3A_91 = arith.addi %while3A_35, %add3A_90 : i32
        %sub3A_92 = arith.constant 1 : i32
        %sub3A_93 = arith.subi %add3A_91, %sub3A_92 : i32
        %lt3A_94 = arith.cmpi slt, %sub3A_93, %add3A_4 : i32
        %convert_element_type3A_95 = arith.extui %lt3A_94 : i1 to i32
        %cond3A_96 = arith.constant 0 : i32
        %cond3A_97 = arith.cmpi ne, %convert_element_type3A_95, %cond3A_96 : i32
        scf.if %cond3A_97 {
          %add3A_98 = arith.addi %sub3A, %while3A_35 : i32
          %add3A_99 = arith.constant 2 : i32
          %add3A_100 = arith.addi %add3A_98, %add3A_99 : i32
          %sub3A_101 = arith.constant 1 : i32
          %sub3A_102 = arith.subi %add3A_100, %sub3A_101 : i32
          %dma_start3A_103 = arith.constant 0 : i32
          %dma_start3A_104 = tpu.memref_slice %arg6[%sub3A_102, %dma_start3A_103] : memref<20x512xi32, #tpu.memory_space<vmem>> -> memref<1x512xi32, #tpu.memory_space<vmem>>
          %dma_start3A_105 = tpu.memref_squeeze %dma_start3A_104 : memref<1x512xi32, #tpu.memory_space<vmem>> -> memref<512xi32, #tpu.memory_space<vmem>>
          %dma_start3A_106 = arith.constant 0 : i32
          %dma_start3A_107 = arith.constant 0 : i32
          %dma_start3A_108 = tpu.memref_slice %arg2[%dma_start3A_106, %dma_start3A_107] : memref<10000x64xf32, #tpu.memory_space<hbm>> -> memref<10000x64xf32, #tpu.memory_space<hbm>>
          tpu.enqueue_indirect_dma source(%dma_start3A_108 : memref<10000x64xf32, #tpu.memory_space<hbm>>) target(%arg8 : memref<512x64xf32, #tpu.memory_space<vmem>>) offsets(%dma_start3A_105 : memref<512xi32, #tpu.memory_space<vmem>>) semaphore(%arg11 : memref<!tpu.dma_semaphore, #tpu.memory_space<semaphore_mem>>)
        } else {
        }
      } else {
      }
    }
    %gt3A_25 = arith.constant 0 : i32
    %gt3A_26 = arith.cmpi sgt, %add3A_4, %gt3A_25 : i32
    %convert_element_type3A_27 = arith.extui %gt3A_26 : i1 to i32
    %cond3A_28 = arith.constant 0 : i32
    %cond3A_29 = arith.cmpi ne, %convert_element_type3A_27, %cond3A_28 : i32
    scf.if %cond3A_29 {
      %sub3A_35 = arith.constant 1 : i32
      %sub3A_36 = arith.subi %add3A_4, %sub3A_35 : i32
      %jit3A_37 = arith.constant 2 : i32
      %eq3A = arith.constant 0 : i32
      %eq3A_38 = arith.cmpi eq, %jit3A_37, %eq3A : i32
      %jit3A_39 = arith.constant 1 : i32
      %select_n3A_40 = arith.select %eq3A_38, %jit3A_39, %jit3A_37 : i32
      %rem3A = arith.remsi %sub3A_36, %select_n3A_40 : i32
      %ne3A = arith.constant 0 : i32
      %ne3A_41 = arith.cmpi ne, %rem3A, %ne3A : i32
      %lt3A_42 = arith.constant 0 : i32
      %lt3A_43 = arith.cmpi slt, %rem3A, %lt3A_42 : i32
      %lt3A_44 = arith.constant 0 : i32
      %lt3A_45 = arith.cmpi slt, %select_n3A_40, %lt3A_44 : i32
      %ne3A_46 = arith.xori %lt3A_43, %lt3A_45 : i1
      %and3A = arith.andi %ne3A_46, %ne3A_41 : i1
      %add3A_47 = arith.addi %rem3A, %select_n3A_40 : i32
      %select_n3A_48 = arith.select %and3A, %add3A_47, %rem3A : i32
      %eq3A_49 = arith.constant 0 : i32
      %eq3A_50 = arith.cmpi eq, %select_n3A_48, %eq3A_49 : i32
      %convert_element_type3A_51 = arith.extui %eq3A_50 : i1 to i32
      %cond3A_52 = arith.constant 0 : i32
      %cond3A_53 = arith.cmpi ne, %convert_element_type3A_51, %cond3A_52 : i32
      scf.if %cond3A_53 {
        %add3A_75 = arith.addi %sub3A, %sub3A_36 : i32
        %dma_wait3A = arith.constant 0 : i32
        %dma_wait3A_76 = tpu.memref_slice %arg7[%add3A_75, %dma_wait3A] : memref<20x512xi32, #tpu.memory_space<vmem>> -> memref<1x512xi32, #tpu.memory_space<vmem>>
        %dma_wait3A_77 = tpu.memref_squeeze %dma_wait3A_76 : memref<1x512xi32, #tpu.memory_space<vmem>> -> memref<512xi32, #tpu.memory_space<vmem>>
        %dma_wait3A_78 = arith.constant 0 : i32
        %dma_wait3A_79 = arith.constant 0 : i32
        %dma_wait3A_80 = tpu.memref_slice %arg10[%dma_wait3A_78, %dma_wait3A_79] : memref<10240x64xf32, #tpu.memory_space<vmem_shared>> -> memref<10240x64xf32, #tpu.memory_space<vmem_shared>>
        tpu.wait_indirect_dma semaphore(%arg13 : memref<!tpu.dma_semaphore, #tpu.memory_space<semaphore_mem>>) src(%arg8 : memref<512x64xf32, #tpu.memory_space<vmem>>) dst(%dma_wait3A_80 : memref<10240x64xf32, #tpu.memory_space<vmem_shared>>)
      } else {
      }
      %jit3A_54 = arith.constant 2 : i32
      %eq3A_55 = arith.constant 0 : i32
      %eq3A_56 = arith.cmpi eq, %jit3A_54, %eq3A_55 : i32
      %jit3A_57 = arith.constant 1 : i32
      %select_n3A_58 = arith.select %eq3A_56, %jit3A_57, %jit3A_54 : i32
      %rem3A_59 = arith.remsi %sub3A_36, %select_n3A_58 : i32
      %ne3A_60 = arith.constant 0 : i32
      %ne3A_61 = arith.cmpi ne, %rem3A_59, %ne3A_60 : i32
      %lt3A_62 = arith.constant 0 : i32
      %lt3A_63 = arith.cmpi slt, %rem3A_59, %lt3A_62 : i32
      %lt3A_64 = arith.constant 0 : i32
      %lt3A_65 = arith.cmpi slt, %select_n3A_58, %lt3A_64 : i32
      %ne3A_66 = arith.xori %lt3A_63, %lt3A_65 : i1
      %and3A_67 = arith.andi %ne3A_66, %ne3A_61 : i1
      %add3A_68 = arith.addi %rem3A_59, %select_n3A_58 : i32
      %select_n3A_69 = arith.select %and3A_67, %add3A_68, %rem3A_59 : i32
      %eq3A_70 = arith.constant 1 : i32
      %eq3A_71 = arith.cmpi eq, %select_n3A_69, %eq3A_70 : i32
      %convert_element_type3A_72 = arith.extui %eq3A_71 : i1 to i32
      %cond3A_73 = arith.constant 0 : i32
      %cond3A_74 = arith.cmpi ne, %convert_element_type3A_72, %cond3A_73 : i32
      scf.if %cond3A_74 {
        %add3A_75 = arith.addi %sub3A, %sub3A_36 : i32
        %dma_wait3A = arith.constant 0 : i32
        %dma_wait3A_76 = tpu.memref_slice %arg7[%add3A_75, %dma_wait3A] : memref<20x512xi32, #tpu.memory_space<vmem>> -> memref<1x512xi32, #tpu.memory_space<vmem>>
        %dma_wait3A_77 = tpu.memref_squeeze %dma_wait3A_76 : memref<1x512xi32, #tpu.memory_space<vmem>> -> memref<512xi32, #tpu.memory_space<vmem>>
        %dma_wait3A_78 = arith.constant 0 : i32
        %dma_wait3A_79 = arith.constant 0 : i32
        %dma_wait3A_80 = tpu.memref_slice %arg10[%dma_wait3A_78, %dma_wait3A_79] : memref<10240x64xf32, #tpu.memory_space<vmem_shared>> -> memref<10240x64xf32, #tpu.memory_space<vmem_shared>>
        tpu.wait_indirect_dma semaphore(%arg14 : memref<!tpu.dma_semaphore, #tpu.memory_space<semaphore_mem>>) src(%arg9 : memref<512x64xf32, #tpu.memory_space<vmem>>) dst(%dma_wait3A_80 : memref<10240x64xf32, #tpu.memory_space<vmem_shared>>)
      } else {
      }
    } else {
    }
    %barrier3A_30 = arith.constant 0 : index
    tpu.barrier barrier_id(%barrier3A_30)
    %mul3A_31 = arith.constant 640 : i32
    %mul3A_32 = arith.muli %arg1, %mul3A_31 : i32
    %mul3A_33 = arith.constant 640 : i32
    %mul3A_34 = arith.muli %arg1, %mul3A_33 : i32
    "tpu.region"() ({
      %run_scoped3A_35 = tpu.sem_alloc : memref<!tpu.dma_semaphore, #tpu.memory_space<semaphore_mem>>
      %dma_start3A = arith.constant 0 : i32
      %dma_start3A_36 = tpu.memref_slice %arg5[%arg0, %mul3A_34, %dma_start3A] : memref<2x10240x64xf32, #tpu.memory_space<hbm>> -> memref<1x640x64xf32, #tpu.memory_space<hbm>>
      %dma_start3A_37 = tpu.memref_squeeze %dma_start3A_36 : memref<1x640x64xf32, #tpu.memory_space<hbm>> -> memref<640x64xf32, #tpu.memory_space<hbm>>
      %dma_start3A_38 = arith.constant 0 : i32
      %dma_start3A_39 = tpu.memref_slice %arg10[%mul3A_32, %dma_start3A_38] : memref<10240x64xf32, #tpu.memory_space<vmem_shared>> -> memref<640x64xf32, #tpu.memory_space<vmem_shared>>
      tpu.enqueue_dma source(%dma_start3A_39 : memref<640x64xf32, #tpu.memory_space<vmem_shared>>) target(%dma_start3A_37 : memref<640x64xf32, #tpu.memory_space<hbm>>) target_semaphore(%run_scoped3A_35 : memref<!tpu.dma_semaphore, #tpu.memory_space<semaphore_mem>>)
      %dma_wait3A = arith.constant 0 : i32
      %dma_wait3A_40 = tpu.memref_slice %arg5[%arg0, %mul3A_34, %dma_wait3A] : memref<2x10240x64xf32, #tpu.memory_space<hbm>> -> memref<1x640x64xf32, #tpu.memory_space<hbm>>
      %dma_wait3A_41 = tpu.memref_squeeze %dma_wait3A_40 : memref<1x640x64xf32, #tpu.memory_space<hbm>> -> memref<640x64xf32, #tpu.memory_space<hbm>>
      %dma_wait3A_42 = arith.constant 0 : i32
      %dma_wait3A_43 = tpu.memref_slice %arg10[%mul3A_32, %dma_wait3A_42] : memref<10240x64xf32, #tpu.memory_space<vmem_shared>> -> memref<640x64xf32, #tpu.memory_space<vmem_shared>>
      tpu.wait_dma2 semaphore(%run_scoped3A_35 : memref<!tpu.dma_semaphore, #tpu.memory_space<semaphore_mem>>) src(%dma_wait3A_43 : memref<640x64xf32, #tpu.memory_space<vmem_shared>>) dst(%dma_wait3A_41 : memref<640x64xf32, #tpu.memory_space<hbm>>)
      tpu.yield
    }) : () -> ()
    return
  }
}

module attributes {stable_mosaic.version = 14 : i64} {
  func.func @body(%arg0: i32, %arg1: memref<2x2560x16xf32, #tpu.memory_space<vmem>>, %arg2: memref<2560x64xf32, #tpu.memory_space<vmem>>, %arg3: memref<2560x1xf32, #tpu.memory_space<vmem>>, %arg4: memref<2560x64xf32, #tpu.memory_space<vmem>>) attributes {dimension_semantics = [#tpu.dimension_semantics<arbitrary>], iteration_bounds = array<i64: 4>, scalar_prefetch = 0 : i64, scratch_operands = 0 : i64, tpu.core_type = #tpu.core_type<tc>, window_params = [{transform_indices = @transform_0, window_bounds = array<i64: 2, 2560, 16>}, {transform_indices = @transform_1, window_bounds = array<i64: 2560, 64>}, {transform_indices = @transform_2, window_bounds = array<i64: 2560, 1>}, {transform_indices = @transform_3, window_bounds = array<i64: 2560, 64>}]} {
    %get3A = arith.constant 0 : index
    %get3A_0 = arith.constant 0 : index
    %get3A_1 = arith.constant 0 : index
    %get3A_2 = vector.load %arg1[%get3A, %get3A_0, %get3A_1] : memref<2x2560x16xf32, #tpu.memory_space<vmem>>, vector<1x2560x1xf32>
    %get3A_3 = vector.shape_cast %get3A_2 : vector<1x2560x1xf32> to vector<2560x1xf32>
    %get3A_4 = arith.constant 1 : index
    %get3A_5 = arith.constant 0 : index
    %get3A_6 = arith.constant 0 : index
    %get3A_7 = vector.load %arg1[%get3A_4, %get3A_5, %get3A_6] : memref<2x2560x16xf32, #tpu.memory_space<vmem>>, vector<1x2560x1xf32>
    %get3A_8 = vector.shape_cast %get3A_7 : vector<1x2560x1xf32> to vector<2560x1xf32>
    %add3A = arith.addf %get3A_3, %get3A_8 : vector<2560x1xf32>
    %add3A_9 = arith.constant 1.000000e+00 : f32
    %add3A_10 = vector.broadcast %add3A_9 : f32 to vector<2560x1xf32>
    %add3A_11 = arith.addf %add3A, %add3A_10 : vector<2560x1xf32>
    %rsqrt3A = math.rsqrt %add3A_11 : vector<2560x1xf32>
    %swap3A = arith.constant 0 : index
    %swap3A_12 = arith.constant 0 : index
    %swap3A_13 = vector.load %arg3[%swap3A, %swap3A_12] : memref<2560x1xf32, #tpu.memory_space<vmem>>, vector<2560x1xf32>
    tpu.vector_store %arg3[%swap3A, %swap3A_12], %rsqrt3A {strides = array<i32>} : memref<2560x1xf32, #tpu.memory_space<vmem>>, vector<2560x1xf32>,
    %get3A_14 = arith.constant 0 : index
    %get3A_15 = arith.constant 0 : index
    %get3A_16 = vector.load %arg2[%get3A_14, %get3A_15] : memref<2560x64xf32, #tpu.memory_space<vmem>>, vector<2560x64xf32>
    %mul3A = vector.broadcast %rsqrt3A : vector<2560x1xf32> to vector<2560x64xf32>
    %mul3A_17 = arith.mulf %get3A_16, %mul3A : vector<2560x64xf32>
    %swap3A_18 = arith.constant 0 : index
    %swap3A_19 = arith.constant 0 : index
    %swap3A_20 = vector.load %arg4[%swap3A_18, %swap3A_19] : memref<2560x64xf32, #tpu.memory_space<vmem>>, vector<2560x64xf32>
    tpu.vector_store %arg4[%swap3A_18, %swap3A_19], %mul3A_17 {strides = array<i32>} : memref<2560x64xf32, #tpu.memory_space<vmem>>, vector<2560x64xf32>,
    return
  }
  func.func @transform_0(%arg0: i32) -> (i32, i32, i32) {
    %c0_i32 = arith.constant 0 : i32
    %c0_i32_0 = arith.constant 0 : i32
    %c0_i32_1 = arith.constant 0 : i32
    return %c0_i32, %arg0, %c0_i32_0 : i32, i32, i32
  }
  func.func @transform_1(%arg0: i32) -> (i32, i32) {
    %c0_i32 = arith.constant 0 : i32
    %c0_i32_0 = arith.constant 0 : i32
    return %arg0, %c0_i32 : i32, i32
  }
  func.func @transform_2(%arg0: i32) -> (i32, i32) {
    %c0_i32 = arith.constant 0 : i32
    %c0_i32_0 = arith.constant 0 : i32
    return %arg0, %c0_i32 : i32, i32
  }
  func.func @transform_3(%arg0: i32) -> (i32, i32) {
    %c0_i32 = arith.constant 0 : i32
    %c0_i32_0 = arith.constant 0 : i32
    return %arg0, %c0_i32 : i32, i32
  }
}

module attributes {stable_mosaic.version = 14 : i64} {
  func.func @body(%arg0: i32, %arg1: memref<2560x128xf32, #tpu.memory_space<vmem>>, %arg2: memref<128x64xf32, #tpu.memory_space<vmem>>, %arg3: memref<2560x64xf32, #tpu.memory_space<vmem>>) attributes {dimension_semantics = [#tpu.dimension_semantics<arbitrary>], iteration_bounds = array<i64: 4>, scalar_prefetch = 0 : i64, scratch_operands = 0 : i64, tpu.core_type = #tpu.core_type<tc>, window_params = [{transform_indices = @transform_0, window_bounds = array<i64: 2560, 128>}, {pipeline_mode = #tpu.pipeline_mode<synchronous>, transform_indices = @transform_1, window_bounds = array<i64: 128, 64>}, {transform_indices = @transform_2, window_bounds = array<i64: 2560, 64>}]} {
    %get3A = arith.constant 0 : index
    %get3A_0 = arith.constant 0 : index
    %get3A_1 = vector.load %arg1[%get3A, %get3A_0] : memref<2560x128xf32, #tpu.memory_space<vmem>>, vector<2560x128xf32>
    %get3A_2 = arith.constant 0 : index
    %get3A_3 = arith.constant 0 : index
    %get3A_4 = vector.load %arg2[%get3A_2, %get3A_3] : memref<128x64xf32, #tpu.memory_space<vmem>>, vector<128x64xf32>
    %dot_general3A = arith.constant dense<0.000000e+00> : vector<2560x64xf32>
    %dot_general3A_5 = tpu.matmul %get3A_1, %get3A_4, %dot_general3A {dimension_numbers = #tpu.dot_dimension_numbers<[1], [0], [0], [1], [0, 0, 1, 1], [], []>, precision = #tpu.contract_precision<fp32>, transpose_lhs_hint = false} : vector<2560x128xf32>, vector<128x64xf32>, vector<2560x64xf32> -> vector<2560x64xf32>
    %swap3A = arith.constant 0 : index
    %swap3A_6 = arith.constant 0 : index
    %swap3A_7 = vector.load %arg3[%swap3A, %swap3A_6] : memref<2560x64xf32, #tpu.memory_space<vmem>>, vector<2560x64xf32>
    tpu.vector_store %arg3[%swap3A, %swap3A_6], %dot_general3A_5 {strides = array<i32>} : memref<2560x64xf32, #tpu.memory_space<vmem>>, vector<2560x64xf32>,
    return
  }
  func.func @transform_0(%arg0: i32) -> (i32, i32) {
    %c0_i32 = arith.constant 0 : i32
    %c0_i32_0 = arith.constant 0 : i32
    return %arg0, %c0_i32 : i32, i32
  }
  func.func @transform_1(%arg0: i32) -> (i32, i32) {
    %c0_i32 = arith.constant 0 : i32
    %c0_i32_0 = arith.constant 0 : i32
    %c0_i32_1 = arith.constant 0 : i32
    return %c0_i32, %c0_i32_0 : i32, i32
  }
  func.func @transform_2(%arg0: i32) -> (i32, i32) {
    %c0_i32 = arith.constant 0 : i32
    %c0_i32_0 = arith.constant 0 : i32
    return %arg0, %c0_i32 : i32, i32
  }
}

module attributes {stable_mosaic.version = 14 : i64} {
  func.func @body(%arg0: i32, %arg1: memref<2x2560x64xf32, #tpu.memory_space<vmem>>, %arg2: memref<2560x64xf32, #tpu.memory_space<vmem>>, %arg3: memref<2560x1xf32, #tpu.memory_space<vmem>>, %arg4: memref<1x64xf32, #tpu.memory_space<vmem>>, %arg5: memref<64x32xf32, #tpu.memory_space<vmem>>, %arg6: memref<2560x32xf32, #tpu.memory_space<vmem>>, %arg7: memref<2560x32xf32, #tpu.memory_space<vmem>>) attributes {dimension_semantics = [#tpu.dimension_semantics<arbitrary>], iteration_bounds = array<i64: 4>, scalar_prefetch = 0 : i64, scratch_operands = 0 : i64, tpu.core_type = #tpu.core_type<tc>, window_params = [{transform_indices = @transform_0, window_bounds = array<i64: 2, 2560, 64>}, {transform_indices = @transform_1, window_bounds = array<i64: 2560, 64>}, {transform_indices = @transform_2, window_bounds = array<i64: 2560, 1>}, {pipeline_mode = #tpu.pipeline_mode<synchronous>, transform_indices = @transform_3, window_bounds = array<i64: 1, 64>}, {pipeline_mode = #tpu.pipeline_mode<synchronous>, transform_indices = @transform_4, window_bounds = array<i64: 64, 32>}, {transform_indices = @transform_5, window_bounds = array<i64: 2560, 32>}, {transform_indices = @transform_6, window_bounds = array<i64: 2560, 32>}]} {
    %get3A = arith.constant 0 : index
    %get3A_0 = arith.constant 0 : index
    %get3A_1 = vector.load %arg3[%get3A, %get3A_0] : memref<2560x1xf32, #tpu.memory_space<vmem>>, vector<2560x1xf32>
    %get3A_2 = arith.constant 0 : index
    %get3A_3 = arith.constant 0 : index
    %get3A_4 = arith.constant 0 : index
    %get3A_5 = vector.load %arg1[%get3A_2, %get3A_3, %get3A_4] : memref<2x2560x64xf32, #tpu.memory_space<vmem>>, vector<1x2560x64xf32>
    %get3A_6 = vector.shape_cast %get3A_5 : vector<1x2560x64xf32> to vector<2560x64xf32>
    %get3A_7 = arith.constant 1 : index
    %get3A_8 = arith.constant 0 : index
    %get3A_9 = arith.constant 0 : index
    %get3A_10 = vector.load %arg1[%get3A_7, %get3A_8, %get3A_9] : memref<2x2560x64xf32, #tpu.memory_space<vmem>>, vector<1x2560x64xf32>
    %get3A_11 = vector.shape_cast %get3A_10 : vector<1x2560x64xf32> to vector<2560x64xf32>
    %add3A = arith.addf %get3A_6, %get3A_11 : vector<2560x64xf32>
    %mul3A = vector.broadcast %get3A_1 : vector<2560x1xf32> to vector<2560x64xf32>
    %mul3A_12 = arith.mulf %mul3A, %add3A : vector<2560x64xf32>
    %mul3A_13 = arith.mulf %get3A_1, %get3A_1 : vector<2560x1xf32>
    %get3A_14 = arith.constant 0 : index
    %get3A_15 = arith.constant 0 : index
    %get3A_16 = vector.load %arg2[%get3A_14, %get3A_15] : memref<2560x64xf32, #tpu.memory_space<vmem>>, vector<2560x64xf32>
    %mul3A_17 = vector.broadcast %mul3A_13 : vector<2560x1xf32> to vector<2560x64xf32>
    %mul3A_18 = arith.mulf %mul3A_17, %get3A_16 : vector<2560x64xf32>
    %add3A_19 = arith.addf %mul3A_12, %mul3A_18 : vector<2560x64xf32>
    %get3A_20 = arith.constant 0 : index
    %get3A_21 = arith.constant 0 : index
    %get3A_22 = vector.load %arg4[%get3A_20, %get3A_21] : memref<1x64xf32, #tpu.memory_space<vmem>>, vector<1x64xf32>
    %add3A_23 = vector.broadcast %get3A_22 : vector<1x64xf32> to vector<2560x64xf32>
    %add3A_24 = arith.addf %add3A_19, %add3A_23 : vector<2560x64xf32>
    %max3A = arith.constant 0.000000e+00 : f32
    %max3A_25 = vector.broadcast %max3A : f32 to vector<2560x64xf32>
    %max3A_26 = arith.maximumf %add3A_24, %max3A_25 : vector<2560x64xf32>
    %get3A_27 = arith.constant 0 : index
    %get3A_28 = arith.constant 0 : index
    %get3A_29 = vector.load %arg5[%get3A_27, %get3A_28] : memref<64x32xf32, #tpu.memory_space<vmem>>, vector<64x32xf32>
    %dot_general3A = arith.constant dense<0.000000e+00> : vector<2560x32xf32>
    %dot_general3A_30 = tpu.matmul %max3A_26, %get3A_29, %dot_general3A {dimension_numbers = #tpu.dot_dimension_numbers<[1], [0], [0], [1], [0, 0, 1, 1], [], []>, precision = #tpu.contract_precision<fp32>, transpose_lhs_hint = false} : vector<2560x64xf32>, vector<64x32xf32>, vector<2560x32xf32> -> vector<2560x32xf32>
    %swap3A = arith.constant 0 : index
    %swap3A_31 = arith.constant 0 : index
    %swap3A_32 = vector.load %arg6[%swap3A, %swap3A_31] : memref<2560x32xf32, #tpu.memory_space<vmem>>, vector<2560x32xf32>
    tpu.vector_store %arg6[%swap3A, %swap3A_31], %dot_general3A_30 {strides = array<i32>} : memref<2560x32xf32, #tpu.memory_space<vmem>>, vector<2560x32xf32>,
    %mul3A_33 = vector.broadcast %get3A_1 : vector<2560x1xf32> to vector<2560x32xf32>
    %mul3A_34 = arith.mulf %dot_general3A_30, %mul3A_33 : vector<2560x32xf32>
    %swap3A_35 = arith.constant 0 : index
    %swap3A_36 = arith.constant 0 : index
    %swap3A_37 = vector.load %arg7[%swap3A_35, %swap3A_36] : memref<2560x32xf32, #tpu.memory_space<vmem>>, vector<2560x32xf32>
    tpu.vector_store %arg7[%swap3A_35, %swap3A_36], %mul3A_34 {strides = array<i32>} : memref<2560x32xf32, #tpu.memory_space<vmem>>, vector<2560x32xf32>,
    return
  }
  func.func @transform_0(%arg0: i32) -> (i32, i32, i32) {
    %c0_i32 = arith.constant 0 : i32
    %c0_i32_0 = arith.constant 0 : i32
    %c0_i32_1 = arith.constant 0 : i32
    return %c0_i32, %arg0, %c0_i32_0 : i32, i32, i32
  }
  func.func @transform_1(%arg0: i32) -> (i32, i32) {
    %c0_i32 = arith.constant 0 : i32
    %c0_i32_0 = arith.constant 0 : i32
    return %arg0, %c0_i32 : i32, i32
  }
  func.func @transform_2(%arg0: i32) -> (i32, i32) {
    %c0_i32 = arith.constant 0 : i32
    %c0_i32_0 = arith.constant 0 : i32
    return %arg0, %c0_i32 : i32, i32
  }
  func.func @transform_3(%arg0: i32) -> (i32, i32) {
    %c0_i32 = arith.constant 0 : i32
    %c0_i32_0 = arith.constant 0 : i32
    %c0_i32_1 = arith.constant 0 : i32
    return %c0_i32, %c0_i32_0 : i32, i32
  }
  func.func @transform_4(%arg0: i32) -> (i32, i32) {
    %c0_i32 = arith.constant 0 : i32
    %c0_i32_0 = arith.constant 0 : i32
    %c0_i32_1 = arith.constant 0 : i32
    return %c0_i32, %c0_i32_0 : i32, i32
  }
  func.func @transform_5(%arg0: i32) -> (i32, i32) {
    %c0_i32 = arith.constant 0 : i32
    %c0_i32_0 = arith.constant 0 : i32
    return %arg0, %c0_i32 : i32, i32
  }
  func.func @transform_6(%arg0: i32) -> (i32, i32) {
    %c0_i32 = arith.constant 0 : i32
    %c0_i32_0 = arith.constant 0 : i32
    return %arg0, %c0_i32 : i32, i32
  }
}

module attributes {stable_mosaic.version = 14 : i64} {
  func.func @body(%arg0: i32, %arg1: memref<2x2560x32xf32, #tpu.memory_space<vmem>>, %arg2: memref<2560x32xf32, #tpu.memory_space<vmem>>, %arg3: memref<2560x1xf32, #tpu.memory_space<vmem>>, %arg4: memref<1x32xf32, #tpu.memory_space<vmem>>, %arg5: memref<32x1xf32, #tpu.memory_space<vmem>>, %arg6: memref<1x1xf32, #tpu.memory_space<vmem>>, %arg7: memref<1x1xf32, #tpu.memory_space<vmem>>, %arg8: memref<1x32xf32, #tpu.memory_space<vmem>>) attributes {dimension_semantics = [#tpu.dimension_semantics<arbitrary>], iteration_bounds = array<i64: 4>, scalar_prefetch = 0 : i64, scratch_operands = 1 : i64, tpu.core_type = #tpu.core_type<tc>, window_params = [{transform_indices = @transform_0, window_bounds = array<i64: 2, 2560, 32>}, {transform_indices = @transform_1, window_bounds = array<i64: 2560, 32>}, {transform_indices = @transform_2, window_bounds = array<i64: 2560, 1>}, {pipeline_mode = #tpu.pipeline_mode<synchronous>, transform_indices = @transform_3, window_bounds = array<i64: 1, 32>}, {pipeline_mode = #tpu.pipeline_mode<synchronous>, transform_indices = @transform_4, window_bounds = array<i64: 32, 1>}, {pipeline_mode = #tpu.pipeline_mode<synchronous>, transform_indices = @transform_5, window_bounds = array<i64: 1, 1>}, {pipeline_mode = #tpu.pipeline_mode<synchronous>, transform_indices = @transform_6, window_bounds = array<i64: 1, 1>}]} {
    %get3A = arith.constant 0 : index
    %get3A_0 = arith.constant 0 : index
    %get3A_1 = vector.load %arg3[%get3A, %get3A_0] : memref<2560x1xf32, #tpu.memory_space<vmem>>, vector<2560x1xf32>
    %get3A_2 = arith.constant 0 : index
    %get3A_3 = arith.constant 0 : index
    %get3A_4 = arith.constant 0 : index
    %get3A_5 = vector.load %arg1[%get3A_2, %get3A_3, %get3A_4] : memref<2x2560x32xf32, #tpu.memory_space<vmem>>, vector<1x2560x32xf32>
    %get3A_6 = vector.shape_cast %get3A_5 : vector<1x2560x32xf32> to vector<2560x32xf32>
    %get3A_7 = arith.constant 1 : index
    %get3A_8 = arith.constant 0 : index
    %get3A_9 = arith.constant 0 : index
    %get3A_10 = vector.load %arg1[%get3A_7, %get3A_8, %get3A_9] : memref<2x2560x32xf32, #tpu.memory_space<vmem>>, vector<1x2560x32xf32>
    %get3A_11 = vector.shape_cast %get3A_10 : vector<1x2560x32xf32> to vector<2560x32xf32>
    %add3A = arith.addf %get3A_6, %get3A_11 : vector<2560x32xf32>
    %mul3A = vector.broadcast %get3A_1 : vector<2560x1xf32> to vector<2560x32xf32>
    %mul3A_12 = arith.mulf %mul3A, %add3A : vector<2560x32xf32>
    %mul3A_13 = arith.mulf %get3A_1, %get3A_1 : vector<2560x1xf32>
    %get3A_14 = arith.constant 0 : index
    %get3A_15 = arith.constant 0 : index
    %get3A_16 = vector.load %arg2[%get3A_14, %get3A_15] : memref<2560x32xf32, #tpu.memory_space<vmem>>, vector<2560x32xf32>
    %mul3A_17 = vector.broadcast %mul3A_13 : vector<2560x1xf32> to vector<2560x32xf32>
    %mul3A_18 = arith.mulf %mul3A_17, %get3A_16 : vector<2560x32xf32>
    %add3A_19 = arith.addf %mul3A_12, %mul3A_18 : vector<2560x32xf32>
    %get3A_20 = arith.constant 0 : index
    %get3A_21 = arith.constant 0 : index
    %get3A_22 = vector.load %arg4[%get3A_20, %get3A_21] : memref<1x32xf32, #tpu.memory_space<vmem>>, vector<1x32xf32>
    %add3A_23 = vector.broadcast %get3A_22 : vector<1x32xf32> to vector<2560x32xf32>
    %add3A_24 = arith.addf %add3A_19, %add3A_23 : vector<2560x32xf32>
    %max3A = arith.constant 0.000000e+00 : f32
    %max3A_25 = vector.broadcast %max3A : f32 to vector<2560x32xf32>
    %max3A_26 = arith.maximumf %add3A_24, %max3A_25 : vector<2560x32xf32>
    %mul3A_27 = arith.constant 2560 : i32
    %mul3A_28 = arith.muli %arg0, %mul3A_27 : i32
    %iota3A = tpu.iota {dimensions = array<i32: 0>} : vector<2560x32xi32>
    %add3A_29 = vector.broadcast %mul3A_28 : i32 to vector<2560x32xi32>
    %add3A_30 = arith.addi %add3A_29, %iota3A : vector<2560x32xi32>
    %lt3A = arith.constant 10000 : i32
    %lt3A_31 = vector.broadcast %lt3A : i32 to vector<2560x32xi32>
    %lt3A_32 = arith.cmpi slt, %add3A_30, %lt3A_31 : vector<2560x32xi32>
    %jit3A = arith.constant 0.000000e+00 : f32
    %broadcast_in_dim3A = vector.broadcast %jit3A : f32 to vector<2560x32xf32>
    %select_n3A = arith.select %lt3A_32, %max3A_26, %broadcast_in_dim3A : vector<2560x32xi1>, vector<2560x32xf32>
    %reduce_sum3A = arith.constant dense<0.000000e+00> : vector<32xf32>
    %reduce_sum3A_33 = vector.multi_reduction <add>, %select_n3A, %reduce_sum3A [0] : vector<2560x32xf32> to vector<32xf32>
    %broadcast_in_dim3A_34 = vector.shape_cast %reduce_sum3A_33 : vector<32xf32> to vector<1x32xf32>
    %eq3A = arith.constant 0 : i32
    %eq3A_35 = arith.cmpi eq, %arg0, %eq3A : i32
    %convert_element_type3A = arith.extui %eq3A_35 : i1 to i32
    %cond3A = arith.constant 0 : i32
    %cond3A_36 = arith.cmpi ne, %convert_element_type3A, %cond3A : i32
    scf.if %cond3A_36 {
      %swap3A = arith.constant 0 : index
      %swap3A_46 = arith.constant 0 : index
      %swap3A_47 = vector.load %arg8[%swap3A, %swap3A_46] : memref<1x32xf32, #tpu.memory_space<vmem>>, vector<1x32xf32>
      tpu.vector_store %arg8[%swap3A, %swap3A_46], %broadcast_in_dim3A_34 {strides = array<i32>} : memref<1x32xf32, #tpu.memory_space<vmem>>, vector<1x32xf32>,
    } else {
    }
    %gt3A = arith.constant 0 : i32
    %gt3A_37 = arith.cmpi sgt, %arg0, %gt3A : i32
    %convert_element_type3A_38 = arith.extui %gt3A_37 : i1 to i32
    %cond3A_39 = arith.constant 0 : i32
    %cond3A_40 = arith.cmpi ne, %convert_element_type3A_38, %cond3A_39 : i32
    scf.if %cond3A_40 {
      %get3A_46 = arith.constant 0 : index
      %get3A_47 = arith.constant 0 : index
      %get3A_48 = vector.load %arg8[%get3A_46, %get3A_47] : memref<1x32xf32, #tpu.memory_space<vmem>>, vector<1x32xf32>
      %add3A_49 = arith.addf %get3A_48, %broadcast_in_dim3A_34 : vector<1x32xf32>
      %swap3A = arith.constant 0 : index
      %swap3A_50 = arith.constant 0 : index
      %swap3A_51 = vector.load %arg8[%swap3A, %swap3A_50] : memref<1x32xf32, #tpu.memory_space<vmem>>, vector<1x32xf32>
      tpu.vector_store %arg8[%swap3A, %swap3A_50], %add3A_49 {strides = array<i32>} : memref<1x32xf32, #tpu.memory_space<vmem>>, vector<1x32xf32>,
    } else {
    }
    %eq3A_41 = arith.constant 3 : i32
    %eq3A_42 = arith.cmpi eq, %arg0, %eq3A_41 : i32
    %convert_element_type3A_43 = arith.extui %eq3A_42 : i1 to i32
    %cond3A_44 = arith.constant 0 : i32
    %cond3A_45 = arith.cmpi ne, %convert_element_type3A_43, %cond3A_44 : i32
    scf.if %cond3A_45 {
      %get3A_46 = arith.constant 0 : index
      %get3A_47 = arith.constant 0 : index
      %get3A_48 = vector.load %arg8[%get3A_46, %get3A_47] : memref<1x32xf32, #tpu.memory_space<vmem>>, vector<1x32xf32>
      %mul3A_49 = arith.constant 9.99999974E-5 : f32
      %mul3A_50 = vector.broadcast %mul3A_49 : f32 to vector<1x32xf32>
      %mul3A_51 = arith.mulf %get3A_48, %mul3A_50 : vector<1x32xf32>
      %get3A_52 = arith.constant 0 : index
      %get3A_53 = arith.constant 0 : index
      %get3A_54 = vector.load %arg5[%get3A_52, %get3A_53] : memref<32x1xf32, #tpu.memory_space<vmem>>, vector<32x1xf32>
      %dot_general3A = arith.constant dense<0.000000e+00> : vector<1x1xf32>
      %dot_general3A_55 = tpu.matmul %mul3A_51, %get3A_54, %dot_general3A {dimension_numbers = #tpu.dot_dimension_numbers<[1], [0], [0], [1], [0, 0, 1, 1], [], []>, precision = #tpu.contract_precision<fp32>, transpose_lhs_hint = false} : vector<1x32xf32>, vector<32x1xf32>, vector<1x1xf32> -> vector<1x1xf32>
      %get3A_56 = arith.constant 0 : index
      %get3A_57 = arith.constant 0 : index
      %get3A_58 = vector.load %arg6[%get3A_56, %get3A_57] : memref<1x1xf32, #tpu.memory_space<vmem>>, vector<1x1xf32>
      %add3A_59 = arith.addf %dot_general3A_55, %get3A_58 : vector<1x1xf32>
      %swap3A = arith.constant 0 : index
      %swap3A_60 = arith.constant 0 : index
      %swap3A_61 = vector.load %arg7[%swap3A, %swap3A_60] : memref<1x1xf32, #tpu.memory_space<vmem>>, vector<1x1xf32>
      tpu.vector_store %arg7[%swap3A, %swap3A_60], %add3A_59 {strides = array<i32>} : memref<1x1xf32, #tpu.memory_space<vmem>>, vector<1x1xf32>,
    } else {
    }
    return
  }
  func.func @transform_0(%arg0: i32) -> (i32, i32, i32) {
    %c0_i32 = arith.constant 0 : i32
    %c0_i32_0 = arith.constant 0 : i32
    %c0_i32_1 = arith.constant 0 : i32
    return %c0_i32, %arg0, %c0_i32_0 : i32, i32, i32
  }
  func.func @transform_1(%arg0: i32) -> (i32, i32) {
    %c0_i32 = arith.constant 0 : i32
    %c0_i32_0 = arith.constant 0 : i32
    return %arg0, %c0_i32 : i32, i32
  }
  func.func @transform_2(%arg0: i32) -> (i32, i32) {
    %c0_i32 = arith.constant 0 : i32
    %c0_i32_0 = arith.constant 0 : i32
    return %arg0, %c0_i32 : i32, i32
  }
  func.func @transform_3(%arg0: i32) -> (i32, i32) {
    %c0_i32 = arith.constant 0 : i32
    %c0_i32_0 = arith.constant 0 : i32
    %c0_i32_1 = arith.constant 0 : i32
    return %c0_i32, %c0_i32_0 : i32, i32
  }
  func.func @transform_4(%arg0: i32) -> (i32, i32) {
    %c0_i32 = arith.constant 0 : i32
    %c0_i32_0 = arith.constant 0 : i32
    %c0_i32_1 = arith.constant 0 : i32
    return %c0_i32, %c0_i32_0 : i32, i32
  }
  func.func @transform_5(%arg0: i32) -> (i32, i32) {
    %c0_i32 = arith.constant 0 : i32
    %c0_i32_0 = arith.constant 0 : i32
    %c0_i32_1 = arith.constant 0 : i32
    return %c0_i32, %c0_i32_0 : i32, i32
  }
  func.func @transform_6(%arg0: i32) -> (i32, i32) {
    %c0_i32 = arith.constant 0 : i32
    %c0_i32_0 = arith.constant 0 : i32
    %c0_i32_1 = arith.constant 0 : i32
    return %c0_i32, %c0_i32_0 : i32, i32
  }
}

</mosaic_0001>

<sc_bundles>
// kernel: kernel.12.cloned.1.call-start
scs
__scs_entry_jumppad:
0x0: {  	(pc) =	sbr.rel $0x88, $3  }
0x1: {  	(tag) =	ssettag $0x0;
	lr =	simm.s32 $0x1  }
0x2: {  	[smem:$0x3F99] =	sst lr;
	_ =	strace $0xD0000000  }
0x3: {  	_ = 	snop  }
0x4: {  	_ = 	snop  }
0x5: {  	_ = 	snop  }
0x6: {  	_ = 	snop  }
0x7: {  	_ = 	snop  }
__scs_overlays_trampoline_lowered:
0x8: {  	[smem:$0x3FA8] =	sst s0  }
0x9: {  	[smem:$0x3FA9] =	sst s1  }
0xa: {  	[smem:$0x3FAA] =	sst s2  }
0xb: {  	[smem:$0x3FAB] =	sst s3  }
0xc: {  	[smem:$0x3FAC] =	sst s4  }
0xd: {  	[smem:$0x3FAD] =	sst s5  }
0xe: {  	[smem:$0x3FAE] =	sst s6  }
0xf: {  	[smem:$0x3FAF] =	sst s7  }
0x10: {  	[smem:$0x3FB0] =	sst s8  }
0x11: {  	[smem:$0x3FB1] =	sst s9;
	s0 =	simm.s32 @!p0 $0x0  }
0x12: {  	s1 =	sld [smem:$0x3F97];
	s0 =	simm.s32 @p0 $0x1  }
0x13: {  	[smem:$0x3FB2] =	sst s0;
	s0 =	simm.s32 @!p1 $0x0  }
0x14: {  	s2 =	sld [smem:$0x3F96];
	s0 =	simm.s32 @p1 $0x1  }
0x15: {  	[smem:$0x3FB3] =	sst s0;
	s0 =	simm.s32 @!p2 $0x0  }
0x16: {  	s3 =	sld [smem:$0x3FDB];
	s0 =	simm.s32 @p2 $0x1  }
0x17: {  	s4 =	simm.s32 $0x1BF5;
	[smem:$0x3FB5] =	sst s0  }
0x18: {  	s0 =	sld [smem:$0x3F98];
	_ =	swait.ge [sflag:s4], $0x0  }
0x19: {  	s7 =	sld [smem:$0x3F99]  }
0x1a: {  	s8 =	sadd.s32 $0xFFFFE003, lr  }
0x1b: {  	s9 =	sadd.s32 $0xFFFFFEF7, lr;
	s5 =	simm.s32 $0xFFFFFFFF;
	p2 =	slt.u32 s8, $0xFFFFF086  }
0x1c: {  	p1 =	slt.u32 s9, $0xF7A;
	s5 =	simm.s32 @!p2 $0x0  }
0x1d: {  	s5 =	simm.s32 @p1 $0x1;
	p0 =	seq.s32 s7, s2  }
0x1e: {  	s7 =	smul.u32 @!p0 $0xF7A, s2;
	p2 =	seq.s32 @!p0 s5, $0x0  }
0x1f: {  	s9 =	smul.u32 $0xF7A, s1;
	s8 =	simm.s32 @!p0 $0x1BF5;
	p2 =	por !p2, p0  }
0x20: {  	[sflag:s8] =	ssyncset.s32 @!p0 $0xFFFFF086;
	s6 =	sadd.s32 @!p0 s3, s7;
	s7 =	simm.s32 @!p0 $0x108  }
0x21: {  	s3 =	sadd.s32 s3, s9;
	s6 =	sadd.s32 @!p0 $0x88, s6;
	s7 =	simm.s32 @p2 $0x1082  }
0x22: {  	[simem:s7], [sflag:s8] =	dma.local @!p0 [hbm:s6], $0xF7A  }
0x23: {  	s9 =	sor.u32 $0xD0000000, s2;
	s6 =	simm.s32 $0x108;
	_ =	swait.ge @!p0 [sflag:s8], $0x0  }
0x24: {  	s3 =	sadd.s32 $0x88, s3;
	s6 =	simm.s32 @!p1 $0x1082;
	[sflag:s4] =	ssyncset.s32 $0xFFFFF086  }
0x25: {  	[simem:s6], [sflag:s4] =	dma.local [hbm:s3], $0xF7A  }
0x26: {  	[smem:$0x3F99] =	sst s1;
	(tag) =	ssettag s2;
	_ =	strace s9  }
0x27: {  	s1 =	sld [smem:$0x3FA9]  }
0x28: {  	s2 =	sld [smem:$0x3FAA]  }
0x29: {  	s4 =	sld [smem:$0x3FAC]  }
0x2a: {  	p0 =	seq.s32 s5, $0x0;
	s5 =	sld [smem:$0x3FAD]  }
0x2b: {  	s6 =	sld [smem:$0x3FAE]  }
0x2c: {  	s7 =	sld [smem:$0x3FAF]  }
0x2d: {  	s3 =	simm.s32 $0x108;
	s8 =	sld [smem:$0x3FB0]  }
0x2e: {  	s3 =	simm.s32 @!p0 $0x1082;
	s9 =	sld [smem:$0x3FB1]  }
0x2f: {  	lr =	sadd.s32 s0, s3;
	s0 =	sld [smem:$0x3FA8]  }
0x30: {  	s3 =	sld [smem:$0x3FAB]  }
0x31: {  	[smem:$0x3FB4] =	sst s10  }
0x32: {  	s10 =	sld [smem:$0x3FB2];
	_ =	sdelay $0x3  }
0x33: {  	p0 =	seq.s32 s10, $0x1;
	s10 =	sld [smem:$0x3FB4];
	_ =	sdelay $0x3  }
0x34: {  	[smem:$0x3FB4] =	sst s10  }
0x35: {  	s10 =	sld [smem:$0x3FB3];
	_ =	sdelay $0x3  }
0x36: {  	p1 =	seq.s32 s10, $0x1;
	s10 =	sld [smem:$0x3FB4];
	_ =	sdelay $0x3  }
0x37: {  	[smem:$0x3FB4] =	sst s10  }
0x38: {  	s10 =	sld [smem:$0x3FB5]  }
0x39: {  	_ = 	snop;
	(pc) =	sbr.ind lr, $3  }
0x3a: {  	_ = 	snop  }
0x3b: {  	_ = 	snop  }
0x3c: {  	p2 =	seq.s32 s10, $0x1;
	s10 =	sld [smem:$0x3FB4]  }
0x3d: {  	_ =	shalt  }
0x3e: {  	_ =	shalt  }
0x3f: {  	_ =	shalt  }
0x40: {  	_ =	shalt  }
0x41: {  	_ =	shalt  }
0x42: {  	_ =	shalt  }
0x43: {  	_ =	shalt  }
0x44: {  	_ =	shalt  }
0x45: {  	_ =	shalt  }
0x46: {  	_ =	shalt  }
0x47: {  	_ =	shalt  }
0x48: {  	_ =	shalt  }
0x49: {  	_ =	shalt  }
0x4a: {  	_ =	shalt  }
0x4b: {  	_ =	shalt  }
0x4c: {  	_ =	shalt  }
0x4d: {  	_ =	shalt  }
0x4e: {  	_ =	shalt  }
0x4f: {  	_ =	shalt  }
0x50: {  	_ =	shalt  }
0x51: {  	_ =	shalt  }
0x52: {  	_ =	shalt  }
0x53: {  	_ =	shalt  }
0x54: {  	_ =	shalt  }
0x55: {  	_ =	shalt  }
0x56: {  	_ =	shalt  }
0x57: {  	_ =	shalt  }
0x58: {  	_ =	shalt  }
0x59: {  	_ =	shalt  }
0x5a: {  	_ =	shalt  }
0x5b: {  	_ =	shalt  }
0x5c: {  	_ =	shalt  }
0x5d: {  	_ =	shalt  }
0x5e: {  	_ =	shalt  }
0x5f: {  	_ =	shalt  }
0x60: {  	_ =	shalt  }
0x61: {  	_ =	shalt  }
0x62: {  	_ =	shalt  }
0x63: {  	_ =	shalt  }
0x64: {  	_ =	shalt  }
0x65: {  	_ =	shalt  }
0x66: {  	_ =	shalt  }
0x67: {  	_ =	shalt  }
0x68: {  	_ =	shalt  }
0x69: {  	_ =	shalt  }
0x6a: {  	_ =	shalt  }
0x6b: {  	_ =	shalt  }
0x6c: {  	_ =	shalt  }
0x6d: {  	_ =	shalt  }
0x6e: {  	_ =	shalt  }
0x6f: {  	_ =	shalt  }
0x70: {  	_ =	shalt  }
0x71: {  	_ =	shalt  }
0x72: {  	_ =	shalt  }
0x73: {  	_ =	shalt  }
0x74: {  	_ =	shalt  }
0x75: {  	_ =	shalt  }
0x76: {  	_ =	shalt  }
0x77: {  	_ =	shalt  }
0x78: {  	_ =	shalt  }
0x79: {  	_ =	shalt  }
0x7a: {  	_ =	shalt  }
0x7b: {  	_ =	shalt  }
0x7c: {  	_ =	shalt  }
0x7d: {  	_ =	shalt  }
0x7e: {  	_ =	shalt  }
0x7f: {  	_ =	shalt  }
0x80: {  	_ =	shalt  }
0x81: {  	_ =	shalt  }
0x82: {  	_ =	shalt  }
0x83: {  	_ =	shalt  }
0x84: {  	_ =	shalt  }
0x85: {  	_ =	shalt  }
0x86: {  	_ =	shalt  }
0x87: {  	_ =	shalt  }
.Lfunc_end0:
.L_simem_size_0:
called_computation.1_lowered:
.L_overlay_start_0:
0x88: {  	s2 =	sld [smem:$0x3FD9]  }
0x89: {  	s3 =	sld [smem:$0x3FFE];
	_ =	sdelay $0x1  }
0x8a: {  	s1 =	srdreg.scid  }
0x8b: {  	s0 =	sand.u32 $0x1, s1  }
0x8c: {  	s16 =	sshll.u32 s0, $0xA;
	s2 =	sadd.s32 s3, s2  }
0x8d: {  	s2 =	sadd.s32 s2, s16  }
0x8e: {  	[smem:$0x3FC0] =	sst s2  }
0x8f: {  	_ = 	snop  }
0x90: {  	(tm) =	ssettm $0x1  }
0x91: {  	s17 =	sld [smem:$0x3FFB];
	_ =	sdelay $0x3  }
0x92: {  	_ =	strace s17  }
0x93: {  	s2 =	sld [smem:$0x3FFC];
	_ =	sdelay $0x3  }
0x94: {  	_ =	strace s2  }
0x95: {  	s2 =	sld [smem:$0x3FFD];
	_ =	sdelay $0x3  }
0x96: {  	_ =	strace s2  }
0x97: {  	_ =	strace $0x8FFFFFFF  }
0x98: {  	s18 =	sld [smem:$0x3FDB];
	_ =	sdelay $0x1  }
0x99: {  	s19 =	simm.s32 $_scs_section_size  }
0x9a: {  	s4 =	simm.s32 $_size__tile_overlayer_lowered;
	s5 =	simm.s32 $_tile_overlayer_lowered  }
0x9b: {  	s22 =	simm.s32 $0x1BFF;
	s21 =	sshll.u32 s5, $0x1;
	s2 =	sadd.s32 s19, s18  }
0x9c: {  	s6 =	simm.s32 $0x0;
	s20 =	sshll.u32 s4, $0x1;
	s4 =	sadd.s32 s21, s2  }
0x9d: {  	[timem:s6], [sflag:s22] =	dma.local [hbm:s4], s20  }
0x9e: {  	_ =	swait.ge [sflag:s22], s20  }
0x9f: {  	s3 =	ssub.s32 $0x0, s20;
	[sflag:s22] =	ssyncset.done $0x0  }
0xa0: {  	[sflag:s22] =	ssyncadd.s32 s3;
	_ =	sdelay $0x1  }
0xa1: {  	s23 =	simm.s32 $0x1B8B  }
0xa2: {  	_ =	swait.ge [sflag:s23], $0x1  }
0xa3: {  	[sflag:s23] =	ssyncset.done $0x0  }
0xa4: {  	s25 =	simm.s32 $0x1B8E;
	s24 =	sld [smem:$0x3FFE];
	[sflag:s23] =	ssyncadd.s32 $0xFFFFFFFF  }
0xa5: {  	s26 =	simm.s32 $execute0_lowered;
	[smem:$0x3FD2] =	sst s25  }
0xa6: {  	s4 =	sshll.u32 s26, $0x1;
	_ =	strace $0x80000049;
	[dreg:$0x1] =	wrdreg $0xFFFFFFFF  }
0xa7: {  	s28 =	simm.s32 $_size_execute0_lowered;
	s2 =	sadd.s32 s2, s4;
	[dreg:$0x0] =	wrdreg $0x0  }
0xa8: {  	s4 =	sshll.u32 s28, $0x1;
	[dreg:$0x2] =	wrdreg s2  }
0xa9: {  	[dreg:$0x3] =	wrdreg s4  }
0xaa: {  	[dreg:$0x4] =	wrdreg $0xC0  }
0xab: {  	_ =	task [dreg:s6], $0x5FFFF  }
0xac: {  	[dreg:$0x1] =	wrdreg $0xFFFFFFFF  }
0xad: {  	[dreg:$0x0] =	wrdreg $0x60  }
0xae: {  	[dreg:$0x2] =	wrdreg s24  }
0xaf: {  	[dreg:$0x3] =	wrdreg $0x150000  }
0xb0: {  	[dreg:$0x4] =	wrdreg $0x9  }
0xb1: {  	_ =	task.clear_ibuf [dreg:s6], $0x5FFFF;
	_ =	strace $0x90000049  }
0xb2: {  	s29 =	simm.s32 $0x9;
	_ =	strace $0x8000004B  }
0xb3: {  	_ =	swait.ge [sflag:s29], $0x1  }
0xb4: {  	[sflag:s29] =	ssyncadd.s32 $0xFFFFFFFF  }
0xb5: {  	_ =	strace $0x9000004B  }
0xb6: {  	_ =	sfence  }
0xb7: {  	s30 =	sld [smem:$0x0];
	_ =	sdelay $0x2  }
0xb8: {  	s31 =	sshll.u32 s1, $0xD;
	s1 =	sshrl.u32 s1, $0x2  }
0xb9: {  	s3 =	sand.u32 $0x4000, s31;
	s1 =	sadd.s32 s1, s30  }
0xba: {  	s0 =	sor.u32 s3, s0;
	s1 =	sshll.u32 s1, $0x11  }
0xbb: {  	s0 =	sor.u32 s1, s0  }
0xbc: {  	s0 =	sadd.s32 $0x8F2B, s0  }
0xbd: {  	[sflag:s0] =	ssyncadd.remote.s32 $0x1  }
0xbe: {  	_ =	sfence.sel $0xFFFF  }
0xbf: {  	[dreg:$0x0] =	wrdreg $0xFFFFFFFF;
	(pc) =	sbr.abs _section_cstart, $3  }
0xc0: {  	[dreg:$0x1] =	wrdreg $0xFFFFFFFF  }
0xc1: {  	_ =	task.clear_ibuf [dreg:s6], $0x2FFFF;
	_ =	strace $0x9FFFFFFF  }
0xc2: {  	(tm) =	ssettm $0x7FFFFFFF  }
0xc3: {  	_ =	shalt  }
tec
execute0_lowered:
.L_overlay_start_1:
0x0: {  	(tag) =	ssettag $0x1  }
0x1: {  	s0 =	srdreg.scid;
	s3 =	rddreg [dreg:$0x0]  }
0x2: {  	s6 =	stileid.u32;
	s2 =	rddreg [dreg:$0x1];
	s8 =	simm.s32 $0x0  }
0x3: {  	s28 =	simm.s32 $0xD000;
	s29 =	simm.s32 $0x2;
	s30 =	simm.s32 $0x1  }
0x4: {  	s31 =	simm.s32 $0x4;
	s0 =	sand.u32 $0x1, s0;
	s7 =	smul.u32 $0xA000, s6  }
0x5: {  	[smem:$0x7FF] =	sst s8;
	s11 =	sadd.s32 $0x29600, s3;
	s1 =	sshll.u32 s0, $0x4  }
0x6: {  	s16 =	smul.u32 $0xA0000, s0;
	_ =	strace $0x8000004A;
	s18 =	ssub.s32 $0x2, s0  }
0x7: {  	[dreg:$0x3] =	wrdreg s11;
	s1 =	sor.u32 s6, s1;
	s19 =	sshrl.u32 s18, $0x1  }
0x8: {  	s4 =	smul.u32 $0x13, s1;
	s5 =	smin.u32 s1, $0x11;
	s10 =	sadd.s32 s7, s16  }
0x9: {  	p0 =	sgt.u32 s1, $0x10;
	s1 =	simm.s32 $0x13;
	s13 =	ssub.s32 s18, s19  }
0xa: {  	s7 =	sadd.s32 s7, s2;
	s16 =	simm.s32 $0x3;
	s10 =	sshrl.u32 s10, $0x3  }
0xb: {  	s1 =	simm.s32 @!p0 $0x14;
	[dreg:$0x6] =	wrdreg s7;
	s13 =	smax.u32 s13, $0x1  }
0xc: {  	s15 =	sadd.s32 s5, s4;
	s11 =	sadd.s32 $0xFFFFFFFF, s1;
	s1 =	sshll.u32 s1, $0xB  }
0xd: {  	s4 =	sadd.s32 $0x15C00, s3;
	s17 =	smin.u32 s15, $0x25D;
	s19 =	sadd.s32 $0xFFFFF000, s1  }
0xe: {  	s1 =	simm.s32 $0x0;
	s6 =	ssub.s32 s15, s17;
	s15 =	smul.u32 $0x98000, s0  }
0xf: {  	s9 =	sshll.u32 s17, $0x6;
	s0 =	smul.u32 $0x130, s0;
	s17 =	simm.s32 $0x3  }
0x10: {  	s9 =	sadd.s32 s9, s3;
	s3 =	sadd.s32 s10, s3;
	s22 =	sshll.u32 s6, $0xB  }
0x11: {  	s20 =	sadd.s32 $0x2200, s9;
	s21 =	sadd.s32 $0xBE40, s9;
	s9 =	stileid.u32  }
0x12: {  	s17 =	simm.s32 @!p0 $0x4;
	s10 =	sshra.s32 s22, $0x2;
	s23 =	smul.u32 $0x13, s9  }
0x13: {  	s12 =	sadd.s32 $0x2AA00, s3;
	s0 =	sadd.s32 s0, s5;
	s24 =	smul.u32 $0x9800, s9  }
0x14: {  	s5 =	sshll.u32 s5, $0xB;
	[dreg:$0x4] =	wrdreg s20;
	s0 =	sadd.s32 s23, s0  }
0x15: {  	[dreg:$0x5] =	wrdreg s21;
	s3 =	sadd.s32 s24, s15;
	s7 =	smin.u32 s0, $0x25D  }
.Ltmp0:
0x16: {  	s3 =	sadd.s32 s5, s3;
	s25 =	sshll.u32 s7, $0xB;
	(pc) =	sbr.rel .LBB2_1-.Ltmp0, $4  }
0x17: {  	s14 =	sadd.s32 $0x2800, s10;
	s15 =	sadd.s32 $0x200, s10;
	s18 =	ssub.s32 s3, s25  }
0x18: {  	s23 =	simm.s32 $0x5;
	s22 =	ssub.s32 s0, s7;
	s3 =	sadd.s32 $0x800, s18  }
0x19: {  	s25 =	simm.s32 $0x200;
	s26 =	sadd.s32 $0x1000, s18;
	s3 =	sshra.s32 s3, $0x2  }
0x1a: {  	s20 =	sshra.s32 s26, $0x2;
	s26 =	simm.s32 $0x5000;
	s21 =	sadd.s32 $0x2800, s3  }
.LBB2_10:
0x1b: {  	_ =	swait.ge [sflag:s29], $0x8000  }
0x1c: {  	[sflag:s29] =	ssyncset.done $0x0  }
0x1d: {  	[sflag:s29] =	ssyncadd.s32 $0xFFFF8000  }
0x1e: {  	_ =	swait.ge [sflag:s16], $0x8000  }
0x1f: {  	s7 =	sshra.s32 s5, $0x2;
	p0 =	sge.u32 s3, s11;
	[sflag:s16] =	ssyncset.done $0x0  }
0x20: {  	s7 =	sadd.s32 $0x2800, s7;
	s3 =	sshra.s32 @!p0 s5, $0x2;
	[sflag:s16] =	ssyncadd.s32 $0xFFFF8000  }
0x21: {  	[spmem:s2] =	stream.indirect.scatter.add.f32 [tilespmem:s28], [sflag:$0x4], $0x40, s7, s25, $0xb8;
	[tilespmem:$0x1F000] =	vst v63  }
0x22: {  	s5 =	simm.s32 @!p0 $0x200;
	s3 =	sadd.s32 @!p0 $0x200, s3;
	s7 =	simm.s32 @!p0 $0x5000  }
0x23: {  	[tilespmem:s7], [sflag:$0x1] =	stream.indirect.gather @!p0 [hbm4b:s4+s5], $0x40, s3, s5, $0xb8;
	[tilespmem:$0x1F000] =	vst v63  }
.LBB2_11:
0x24: {  	_ =	swait.ge [sflag:s17], $0x8000  }
0x25: {  	s1 =	sadd.s32 $0x1, s1;
	[sflag:s17] =	ssyncset.done $0x0  }
0x26: {  	p0 =	sne.s32 s1, s13;
	[sflag:s17] =	ssyncadd.s32 $0xFFFF8000  }
.Ltmp1:
0x27: {  	[bflag:$0x0] =	sbarrier.arrive $0xFFFF;
	(pc) =	sbr.rel @!p0 .LBB2_12-.Ltmp1, $4  }
0x28: {  	[hbm:s12], [sflag:s0] =	dma.local [spmem:s24], $0x1400  }
0x29: {  	_ =	swait.ge [sflag:s23], $0x1400  }
0x2a: {  	[sflag:s23] =	ssyncset.done $0x0  }
0x2b: {  	[sflag:s23] =	ssyncadd.s32 $0xFFFFEC00  }
.LBB2_1:
0x2c: {  	s0 =	simm.s32 $0x0;
	s3 =	rddreg [dreg:$0x4]  }
0x2d: {  	[tilespmem:s0], [sflag:$0x5] =	stream.linear.gather [hbm4b:s3+s0], $0x2800, $0x38;
	[tilespmem:$0x1F000] =	vst v63  }
0x2e: {  	_ =	swait.ge [sflag:s23], $0x2800  }
0x2f: {  	[sflag:s23] =	ssyncset.done $0x0  }
0x30: {  	s5 =	simm.s32 $0x2800;
	s24 =	rddreg [dreg:$0x5];
	[sflag:s23] =	ssyncadd.s32 $0xFFFFD800  }
0x31: {  	[tilespmem:s5], [sflag:$0x5] =	stream.linear.gather [hbm4b:s24+s0], $0x2800, $0x38;
	[tilespmem:$0x1F000] =	vst v63  }
0x32: {  	s5 =	sshll.u32 s9, $0x6;
	_ =	swait.ge [sflag:s23], $0x2800  }
0x33: {  	s0 =	sor.u32 $0x1C05, s5;
	[sflag:s23] =	ssyncset.done $0x0;
	s7 =	rddreg [dreg:$0x6]  }
0x34: {  	s8 =	rddreg [dreg:$0x3];
	[sflag:s23] =	ssyncadd.s32 $0xFFFFD800;
	s24 =	sshrl.u32 s7, $0x3  }
0x35: {  	[spmem:s24], [sflag:s0] =	dma.local [hbm:s8], $0x1400  }
0x36: {  	_ =	swait.ge [sflag:s23], $0x1400  }
0x37: {  	[sflag:s23] =	ssyncset.done $0x0  }
0x38: {  	[sflag:s23] =	ssyncadd.s32 $0xFFFFEC00  }
0x39: {  	[bflag:$0x0] =	sbarrier.arrive $0xFFFF  }
0x3a: {  	[tilespmem:s26], [sflag:$0x1] =	stream.indirect.gather [hbm4b:s4+s25], $0x40, s10, s25, $0xb8;
	[tilespmem:$0x1F000] =	vst v63  }
0x3b: {  	_ =	swait.ge [sflag:s30], $0x8000  }
.Ltmp2:
0x3c: {  	[sflag:s30] =	ssyncset.done $0x0;
	(pc) =	sbr.rel .LBB2_2-.Ltmp2, $4  }
0x3d: {  	[sflag:s30] =	ssyncadd.s32 $0xFFFF8000  }
0x3e: {  	[spmem:s2] =	stream.indirect.scatter.add.f32 [tilespmem:s26], [sflag:$0x3], $0x40, s14, s25, $0xb8;
	[tilespmem:$0x1F000] =	vst v63  }
0x3f: {  	s3 =	simm.s32 $0x1;
	s5 =	simm.s32 $0x0  }
0x40: {  	[tilespmem:s28], [sflag:$0x2] =	stream.indirect.gather [hbm4b:s4+s25], $0x40, s15, s25, $0xb8;
	[tilespmem:$0x1F000] =	vst v63  }
.LBB2_3:
0x41: {  	s7 =	sadd.s32 s5, s18  }
0x42: {  	s7 =	sadd.s32 $0x800, s7  }
.LBB2_6:
0x43: {  	_ =	swait.ge [sflag:s29], $0x8000  }
0x44: {  	[sflag:s29] =	ssyncset.done $0x0  }
0x45: {  	[sflag:s29] =	ssyncadd.s32 $0xFFFF8000  }
0x46: {  	_ =	swait.ge [sflag:s16], $0x8000  }
0x47: {  	s7 =	sshra.s32 s7, $0x2;
	[sflag:s16] =	ssyncset.done $0x0  }
0x48: {  	s8 =	sadd.s32 $0x2800, s7;
	[sflag:s16] =	ssyncadd.s32 $0xFFFF8000  }
0x49: {  	[spmem:s2] =	stream.indirect.scatter.add.f32 [tilespmem:s28], [sflag:$0x4], $0x40, s8, s25, $0xb8;
	[tilespmem:$0x1F000] =	vst v63  }
0x4a: {  	s7 =	sadd.s32 $0x200, s7  }
0x4b: {  	[tilespmem:s26], [sflag:$0x1] =	stream.indirect.gather [hbm4b:s4+s25], $0x40, s7, s25, $0xb8;
	[tilespmem:$0x1F000] =	vst v63  }
.LBB2_7:
0x4c: {  	s5 =	sadd.s32 $0x800, s5  }
0x4d: {  	p1 =	sne.s32 s19, s5  }
.Ltmp3:
0x4e: {  	_ = 	snop;
	(pc) =	sbr.rel @!p1 .LBB2_8-.Ltmp3, $2  }
0x4f: {  	_ =	sdelay $0x2  }
0x50: {  	s3 =	sadd.s32 $0x1, s3  }
.LBB2_2:
0x51: {  	s7 =	sand.u32 $0x1, s3  }
0x52: {  	p0 =	seq.s32 s7, $0x0  }
.Ltmp4:
0x53: {  	_ = 	snop;
	(pc) =	sbr.rel @!p0 .LBB2_3-.Ltmp4, $1  }
0x54: {  	_ =	sdelay $0x3  }
0x55: {  	_ =	swait.ge [sflag:s30], $0x8000  }
0x56: {  	[sflag:s30] =	ssyncset.done $0x0  }
0x57: {  	[sflag:s30] =	ssyncadd.s32 $0xFFFF8000  }
0x58: {  	_ =	swait.ge [sflag:s31], $0x8000  }
.Ltmp5:
0x59: {  	s7 =	sshra.s32 s5, $0x2;
	[sflag:s31] =	ssyncset.done $0x0;
	(pc) =	sbr.rel @p0 .LBB2_7-.Ltmp5, $4  }
0x5a: {  	s8 =	sadd.s32 s7, s21;
	[sflag:s31] =	ssyncadd.s32 $0xFFFF8000  }
0x5b: {  	[spmem:s2] =	stream.indirect.scatter.add.f32 [tilespmem:s26], [sflag:$0x3], $0x40, s8, s25, $0xb8;
	[tilespmem:$0x1F000] =	vst v63  }
0x5c: {  	s7 =	sadd.s32 s7, s20  }
0x5d: {  	[tilespmem:s28], [sflag:$0x2] =	stream.indirect.gather [hbm4b:s4+s25], $0x40, s7, s25, $0xb8;
	[tilespmem:$0x1F000] =	vst v63  }
.Ltmp6:
0x5e: {  	(pc) =	sbr.rel .LBB2_6-.Ltmp6, $3  }
0x5f: {  	_ =	sdelay $0x1  }
0x60: {  	s7 =	sadd.s32 s6, s3  }
0x61: {  	s7 =	sshll.u32 s7, $0xB  }
.LBB2_8:
0x62: {  	s5 =	sand.u32 $0x1, s3  }
0x63: {  	p1 =	seq.s32 s5, $0x1  }
.Ltmp7:
0x64: {  	_ = 	snop;
	(pc) =	sbr.rel @p1 .LBB2_10-.Ltmp7, $3  }
0x65: {  	_ =	sdelay $0x1  }
0x66: {  	s8 =	sadd.s32 s3, s22  }
0x67: {  	s5 =	sshll.u32 s8, $0xB  }
0x68: {  	_ =	swait.ge [sflag:s30], $0x8000  }
0x69: {  	[sflag:s30] =	ssyncset.done $0x0  }
0x6a: {  	[sflag:s30] =	ssyncadd.s32 $0xFFFF8000  }
0x6b: {  	_ =	swait.ge [sflag:s31], $0x8000  }
0x6c: {  	s7 =	sshra.s32 s5, $0x2;
	[sflag:s31] =	ssyncset.done $0x0  }
0x6d: {  	s7 =	sadd.s32 $0x2800, s7;
	[sflag:s31] =	ssyncadd.s32 $0xFFFF8000  }
0x6e: {  	[spmem:s2] =	stream.indirect.scatter.add.f32 [tilespmem:s26], [sflag:$0x3], $0x40, s7, s25, $0xb8;
	[tilespmem:$0x1F000] =	vst v63  }
.Ltmp8:
0x6f: {  	p1 =	sge.u32 s3, s11;
	(pc) =	sbr.rel @!p0 .LBB2_11-.Ltmp8, $4  }
.Ltmp9:
0x70: {  	s7 =	sshra.s32 @!p1 s5, $0x2;
	(pc) =	sbr.rel @p0 .LBB2_10-.Ltmp9, $4  }
0x71: {  	s8 =	simm.s32 @!p1 $0x200;
	s9 =	simm.s32 @!p1 $0xD000;
	s7 =	sadd.s32 @!p1 $0x200, s7  }
0x72: {  	[tilespmem:s9], [sflag:$0x2] =	stream.indirect.gather @!p1 [hbm4b:s4+s8], $0x40, s7, s8, $0xb8;
	[tilespmem:$0x1F000] =	vst v63  }
0x73: {  	s9 =	stileid.u32  }
0x74: {  	_ = 	snop  }
.LBB2_12:
0x75: {  	_ =	sfence.sel $0x180000  }
0x76: {  	[bflag:$0x0] =	sbarrier.arrive $0xFFFF  }
0x77: {  	_ =	strace $0x9000004A  }
0x78: {  	[bflag:$0x2] =	sbarrier.arrive $0xFFFF  }
0x79: {  	p0 =	sne.s32 s9, $0x0;
	s0 =	rddreg [dreg:$0x2]  }
0x7a: {  	s0 =	sadd.s32 @!p0 $0x100000, s0  }
0x7b: {  	[sflag:s0] =	ssyncadd.tile.s32 @!p0 $0x1;
	_ =	shalt  }
.Lfunc_end2:
_tile_overlayer_lowered:
.L_overlay_start_2:
0x7c: {  	(tag) =	ssettag $0x2  }
0x7d: {  	s0 =	rddreg [dreg:$0x0];
	s2 =	stileid.u32  }
0x7e: {  	s1 =	rddreg [dreg:$0x1];
	p0 =	sne.s32 s2, $0x0  }
0x7f: {  	s3 =	rddreg [dreg:$0x2];
	[bflag:$0x3] =	sbarrier.arrive $0xFFFF;
	s2 =	simm.s32 @!p0 $0x1C05  }
0x80: {  	[timem:s3], [sflag:s2] =	dma.local @!p0 [hbm:s0], s1  }
0x81: {  	s0 =	simm.s32 @!p0 $0x5  }
0x82: {  	_ =	swait.ge @!p0 [sflag:s0], s1  }
0x83: {  	s1 =	ssub.s32 @!p0 $0x0, s1;
	[sflag:s0] =	ssyncset.done @!p0 $0x0  }
0x84: {  	[sflag:s0] =	ssyncadd.s32 @!p0 s1  }
0x85: {  	[bflag:$0x3] =	sbarrier.arrive $0xFFFF  }
0x86: {  	_ =	shalt  }

// kernel: kernel.15.cloned.1.call-start
scs
__scs_entry_jumppad:
0x0: {  	(pc) =	sbr.rel $0x88, $3  }
0x1: {  	(tag) =	ssettag $0x0;
	lr =	simm.s32 $0x1  }
0x2: {  	[smem:$0x3F99] =	sst lr;
	_ =	strace $0xD0000000  }
0x3: {  	_ = 	snop  }
0x4: {  	_ = 	snop  }
0x5: {  	_ = 	snop  }
0x6: {  	_ = 	snop  }
0x7: {  	_ = 	snop  }
__scs_overlays_trampoline_lowered:
0x8: {  	[smem:$0x3FA8] =	sst s0  }
0x9: {  	[smem:$0x3FA9] =	sst s1  }
0xa: {  	[smem:$0x3FAA] =	sst s2  }
0xb: {  	[smem:$0x3FAB] =	sst s3  }
0xc: {  	[smem:$0x3FAC] =	sst s4  }
0xd: {  	[smem:$0x3FAD] =	sst s5  }
0xe: {  	[smem:$0x3FAE] =	sst s6  }
0xf: {  	[smem:$0x3FAF] =	sst s7  }
0x10: {  	[smem:$0x3FB0] =	sst s8  }
0x11: {  	[smem:$0x3FB1] =	sst s9;
	s0 =	simm.s32 @!p0 $0x0  }
0x12: {  	s1 =	sld [smem:$0x3F97];
	s0 =	simm.s32 @p0 $0x1  }
0x13: {  	[smem:$0x3FB2] =	sst s0;
	s0 =	simm.s32 @!p1 $0x0  }
0x14: {  	s2 =	sld [smem:$0x3F96];
	s0 =	simm.s32 @p1 $0x1  }
0x15: {  	[smem:$0x3FB3] =	sst s0;
	s0 =	simm.s32 @!p2 $0x0  }
0x16: {  	s3 =	sld [smem:$0x3FDB];
	s0 =	simm.s32 @p2 $0x1  }
0x17: {  	s4 =	simm.s32 $0x1BF5;
	[smem:$0x3FB5] =	sst s0  }
0x18: {  	s0 =	sld [smem:$0x3F98];
	_ =	swait.ge [sflag:s4], $0x0  }
0x19: {  	s7 =	sld [smem:$0x3F99]  }
0x1a: {  	s8 =	sadd.s32 $0xFFFFE003, lr  }
0x1b: {  	s9 =	sadd.s32 $0xFFFFFEF7, lr;
	s5 =	simm.s32 $0xFFFFFFFF;
	p2 =	slt.u32 s8, $0xFFFFF086  }
0x1c: {  	p1 =	slt.u32 s9, $0xF7A;
	s5 =	simm.s32 @!p2 $0x0  }
0x1d: {  	s5 =	simm.s32 @p1 $0x1;
	p0 =	seq.s32 s7, s2  }
0x1e: {  	s7 =	smul.u32 @!p0 $0xF7A, s2;
	p2 =	seq.s32 @!p0 s5, $0x0  }
0x1f: {  	s9 =	smul.u32 $0xF7A, s1;
	s8 =	simm.s32 @!p0 $0x1BF5;
	p2 =	por !p2, p0  }
0x20: {  	[sflag:s8] =	ssyncset.s32 @!p0 $0xFFFFF086;
	s6 =	sadd.s32 @!p0 s3, s7;
	s7 =	simm.s32 @!p0 $0x108  }
0x21: {  	s3 =	sadd.s32 s3, s9;
	s6 =	sadd.s32 @!p0 $0x88, s6;
	s7 =	simm.s32 @p2 $0x1082  }
0x22: {  	[simem:s7], [sflag:s8] =	dma.local @!p0 [hbm:s6], $0xF7A  }
0x23: {  	s9 =	sor.u32 $0xD0000000, s2;
	s6 =	simm.s32 $0x108;
	_ =	swait.ge @!p0 [sflag:s8], $0x0  }
0x24: {  	s3 =	sadd.s32 $0x88, s3;
	s6 =	simm.s32 @!p1 $0x1082;
	[sflag:s4] =	ssyncset.s32 $0xFFFFF086  }
0x25: {  	[simem:s6], [sflag:s4] =	dma.local [hbm:s3], $0xF7A  }
0x26: {  	[smem:$0x3F99] =	sst s1;
	(tag) =	ssettag s2;
	_ =	strace s9  }
0x27: {  	s1 =	sld [smem:$0x3FA9]  }
0x28: {  	s2 =	sld [smem:$0x3FAA]  }
0x29: {  	s4 =	sld [smem:$0x3FAC]  }
0x2a: {  	p0 =	seq.s32 s5, $0x0;
	s5 =	sld [smem:$0x3FAD]  }
0x2b: {  	s6 =	sld [smem:$0x3FAE]  }
0x2c: {  	s7 =	sld [smem:$0x3FAF]  }
0x2d: {  	s3 =	simm.s32 $0x108;
	s8 =	sld [smem:$0x3FB0]  }
0x2e: {  	s3 =	simm.s32 @!p0 $0x1082;
	s9 =	sld [smem:$0x3FB1]  }
0x2f: {  	lr =	sadd.s32 s0, s3;
	s0 =	sld [smem:$0x3FA8]  }
0x30: {  	s3 =	sld [smem:$0x3FAB]  }
0x31: {  	[smem:$0x3FB4] =	sst s10  }
0x32: {  	s10 =	sld [smem:$0x3FB2];
	_ =	sdelay $0x3  }
0x33: {  	p0 =	seq.s32 s10, $0x1;
	s10 =	sld [smem:$0x3FB4];
	_ =	sdelay $0x3  }
0x34: {  	[smem:$0x3FB4] =	sst s10  }
0x35: {  	s10 =	sld [smem:$0x3FB3];
	_ =	sdelay $0x3  }
0x36: {  	p1 =	seq.s32 s10, $0x1;
	s10 =	sld [smem:$0x3FB4];
	_ =	sdelay $0x3  }
0x37: {  	[smem:$0x3FB4] =	sst s10  }
0x38: {  	s10 =	sld [smem:$0x3FB5]  }
0x39: {  	_ = 	snop;
	(pc) =	sbr.ind lr, $3  }
0x3a: {  	_ = 	snop  }
0x3b: {  	_ = 	snop  }
0x3c: {  	p2 =	seq.s32 s10, $0x1;
	s10 =	sld [smem:$0x3FB4]  }
0x3d: {  	_ =	shalt  }
0x3e: {  	_ =	shalt  }
0x3f: {  	_ =	shalt  }
0x40: {  	_ =	shalt  }
0x41: {  	_ =	shalt  }
0x42: {  	_ =	shalt  }
0x43: {  	_ =	shalt  }
0x44: {  	_ =	shalt  }
0x45: {  	_ =	shalt  }
0x46: {  	_ =	shalt  }
0x47: {  	_ =	shalt  }
0x48: {  	_ =	shalt  }
0x49: {  	_ =	shalt  }
0x4a: {  	_ =	shalt  }
0x4b: {  	_ =	shalt  }
0x4c: {  	_ =	shalt  }
0x4d: {  	_ =	shalt  }
0x4e: {  	_ =	shalt  }
0x4f: {  	_ =	shalt  }
0x50: {  	_ =	shalt  }
0x51: {  	_ =	shalt  }
0x52: {  	_ =	shalt  }
0x53: {  	_ =	shalt  }
0x54: {  	_ =	shalt  }
0x55: {  	_ =	shalt  }
0x56: {  	_ =	shalt  }
0x57: {  	_ =	shalt  }
0x58: {  	_ =	shalt  }
0x59: {  	_ =	shalt  }
0x5a: {  	_ =	shalt  }
0x5b: {  	_ =	shalt  }
0x5c: {  	_ =	shalt  }
0x5d: {  	_ =	shalt  }
0x5e: {  	_ =	shalt  }
0x5f: {  	_ =	shalt  }
0x60: {  	_ =	shalt  }
0x61: {  	_ =	shalt  }
0x62: {  	_ =	shalt  }
0x63: {  	_ =	shalt  }
0x64: {  	_ =	shalt  }
0x65: {  	_ =	shalt  }
0x66: {  	_ =	shalt  }
0x67: {  	_ =	shalt  }
0x68: {  	_ =	shalt  }
0x69: {  	_ =	shalt  }
0x6a: {  	_ =	shalt  }
0x6b: {  	_ =	shalt  }
0x6c: {  	_ =	shalt  }
0x6d: {  	_ =	shalt  }
0x6e: {  	_ =	shalt  }
0x6f: {  	_ =	shalt  }
0x70: {  	_ =	shalt  }
0x71: {  	_ =	shalt  }
0x72: {  	_ =	shalt  }
0x73: {  	_ =	shalt  }
0x74: {  	_ =	shalt  }
0x75: {  	_ =	shalt  }
0x76: {  	_ =	shalt  }
0x77: {  	_ =	shalt  }
0x78: {  	_ =	shalt  }
0x79: {  	_ =	shalt  }
0x7a: {  	_ =	shalt  }
0x7b: {  	_ =	shalt  }
0x7c: {  	_ =	shalt  }
0x7d: {  	_ =	shalt  }
0x7e: {  	_ =	shalt  }
0x7f: {  	_ =	shalt  }
0x80: {  	_ =	shalt  }
0x81: {  	_ =	shalt  }
0x82: {  	_ =	shalt  }
0x83: {  	_ =	shalt  }
0x84: {  	_ =	shalt  }
0x85: {  	_ =	shalt  }
0x86: {  	_ =	shalt  }
0x87: {  	_ =	shalt  }
.Lfunc_end0:
.L_simem_size_0:
called_computation.2_lowered:
.L_overlay_start_0:
0x88: {  	s2 =	sld [smem:$0x3FD9]  }
0x89: {  	s3 =	sld [smem:$0x3FFE];
	_ =	sdelay $0x1  }
0x8a: {  	s1 =	srdreg.scid  }
0x8b: {  	s0 =	sand.u32 $0x1, s1  }
0x8c: {  	s16 =	sshll.u32 s0, $0xA;
	s2 =	sadd.s32 s3, s2  }
0x8d: {  	s2 =	sadd.s32 s2, s16  }
0x8e: {  	[smem:$0x3FC0] =	sst s2  }
0x8f: {  	_ = 	snop  }
0x90: {  	(tm) =	ssettm $0x1  }
0x91: {  	s17 =	sld [smem:$0x3FFB];
	_ =	sdelay $0x3  }
0x92: {  	_ =	strace s17  }
0x93: {  	s2 =	sld [smem:$0x3FFC];
	_ =	sdelay $0x3  }
0x94: {  	_ =	strace s2  }
0x95: {  	s2 =	sld [smem:$0x3FFD];
	_ =	sdelay $0x3  }
0x96: {  	_ =	strace s2  }
0x97: {  	_ =	strace $0x8FFFFFFF  }
0x98: {  	s18 =	sld [smem:$0x3FDB];
	_ =	sdelay $0x1  }
0x99: {  	s19 =	simm.s32 $_scs_section_size  }
0x9a: {  	s4 =	simm.s32 $_size__tile_overlayer_lowered;
	s5 =	simm.s32 $_tile_overlayer_lowered  }
0x9b: {  	s22 =	simm.s32 $0x1BFF;
	s21 =	sshll.u32 s5, $0x1;
	s2 =	sadd.s32 s19, s18  }
0x9c: {  	s6 =	simm.s32 $0x0;
	s20 =	sshll.u32 s4, $0x1;
	s4 =	sadd.s32 s21, s2  }
0x9d: {  	[timem:s6], [sflag:s22] =	dma.local [hbm:s4], s20  }
0x9e: {  	_ =	swait.ge [sflag:s22], s20  }
0x9f: {  	s3 =	ssub.s32 $0x0, s20;
	[sflag:s22] =	ssyncset.done $0x0  }
0xa0: {  	[sflag:s22] =	ssyncadd.s32 s3;
	_ =	sdelay $0x1  }
0xa1: {  	s23 =	simm.s32 $0x1B8B  }
0xa2: {  	_ =	swait.ge [sflag:s23], $0x1  }
0xa3: {  	[sflag:s23] =	ssyncset.done $0x0  }
0xa4: {  	s25 =	simm.s32 $0x1B8E;
	s24 =	sld [smem:$0x3FFE];
	[sflag:s23] =	ssyncadd.s32 $0xFFFFFFFF  }
0xa5: {  	s26 =	simm.s32 $execute0_lowered;
	[smem:$0x3FD2] =	sst s25  }
0xa6: {  	s4 =	sshll.u32 s26, $0x1;
	_ =	strace $0x8000004C;
	[dreg:$0x1] =	wrdreg $0xFFFFFFFF  }
0xa7: {  	s28 =	simm.s32 $_size_execute0_lowered;
	s2 =	sadd.s32 s2, s4;
	[dreg:$0x0] =	wrdreg $0x0  }
0xa8: {  	s4 =	sshll.u32 s28, $0x1;
	[dreg:$0x2] =	wrdreg s2  }
0xa9: {  	[dreg:$0x3] =	wrdreg s4  }
0xaa: {  	[dreg:$0x4] =	wrdreg $0xC0  }
0xab: {  	_ =	task [dreg:s6], $0x5FFFF  }
0xac: {  	[dreg:$0x1] =	wrdreg $0xFFFFFFFF  }
0xad: {  	[dreg:$0x0] =	wrdreg $0x60  }
0xae: {  	[dreg:$0x2] =	wrdreg s24  }
0xaf: {  	[dreg:$0x3] =	wrdreg $0x110000  }
0xb0: {  	[dreg:$0x4] =	wrdreg $0x9  }
0xb1: {  	_ =	task.clear_ibuf [dreg:s6], $0x5FFFF;
	_ =	strace $0x9000004C  }
0xb2: {  	s29 =	simm.s32 $0x9;
	_ =	strace $0x8000004E  }
0xb3: {  	_ =	swait.ge [sflag:s29], $0x1  }
0xb4: {  	[sflag:s29] =	ssyncadd.s32 $0xFFFFFFFF  }
0xb5: {  	_ =	strace $0x9000004E  }
0xb6: {  	_ =	sfence  }
0xb7: {  	s30 =	sld [smem:$0x0];
	_ =	sdelay $0x2  }
0xb8: {  	s31 =	sshll.u32 s1, $0xD;
	s1 =	sshrl.u32 s1, $0x2  }
0xb9: {  	s3 =	sand.u32 $0x4000, s31;
	s1 =	sadd.s32 s1, s30  }
0xba: {  	s0 =	sor.u32 s3, s0;
	s1 =	sshll.u32 s1, $0x11  }
0xbb: {  	s0 =	sor.u32 s1, s0  }
0xbc: {  	s0 =	sadd.s32 $0x8F2B, s0  }
0xbd: {  	[sflag:s0] =	ssyncadd.remote.s32 $0x1  }
0xbe: {  	_ =	sfence.sel $0xFFFF  }
0xbf: {  	[dreg:$0x0] =	wrdreg $0xFFFFFFFF;
	(pc) =	sbr.abs _section_cstart, $3  }
0xc0: {  	[dreg:$0x1] =	wrdreg $0xFFFFFFFF  }
0xc1: {  	_ =	task.clear_ibuf [dreg:s6], $0x2FFFF;
	_ =	strace $0x9FFFFFFF  }
0xc2: {  	(tm) =	ssettm $0x7FFFFFFF  }
0xc3: {  	_ =	shalt  }
tec
execute0_lowered:
.L_overlay_start_1:
0x0: {  	(tag) =	ssettag $0x1  }
0x1: {  	s0 =	srdreg.scid;
	s3 =	rddreg [dreg:$0x0]  }
0x2: {  	s17 =	stileid.u32;
	s2 =	rddreg [dreg:$0x1];
	s6 =	simm.s32 $0x0  }
0x3: {  	s15 =	simm.s32 $0x4;
	s16 =	simm.s32 $0x4;
	s28 =	simm.s32 $0xD000  }
0x4: {  	s29 =	simm.s32 $0x2;
	s30 =	simm.s32 $0x1;
	s31 =	simm.s32 $0x0  }
0x5: {  	s0 =	sand.u32 $0x1, s0;
	s10 =	smul.u32 $0x5000, s17;
	[smem:$0x7FF] =	sst s6  }
0x6: {  	s21 =	sadd.s32 $0x1FA00, s3;
	s6 =	simm.s32 $0x13;
	s14 =	smul.u32 $0x13, s17  }
0x7: {  	s26 =	sshll.u32 s17, $0x6;
	s1 =	sshll.u32 s0, $0x4;
	s18 =	smul.u32 $0x50000, s0  }
0x8: {  	_ =	strace $0x8000004D;
	[dreg:$0x3] =	wrdreg s21;
	s22 =	ssub.s32 $0x2, s0  }
0x9: {  	s0 =	smul.u32 $0x130, s0;
	s21 =	sor.u32 $0x1C07, s26;
	s1 =	sor.u32 s17, s1  }
0xa: {  	s26 =	simm.s32 $0x5;
	s12 =	sshrl.u32 s22, $0x1;
	s4 =	smul.u32 $0x13, s1  }
0xb: {  	s5 =	smin.u32 s1, $0x11;
	s9 =	sadd.s32 s10, s18;
	p0 =	sgt.u32 s1, $0x10  }
0xc: {  	s23 =	ssub.s32 s22, s12;
	s10 =	sadd.s32 s10, s2;
	s22 =	simm.s32 $0x200  }
0xd: {  	s20 =	sshrl.u32 s9, $0x3;
	s6 =	simm.s32 @!p0 $0x14;
	s0 =	sadd.s32 s0, s5  }
0xe: {  	s15 =	simm.s32 @!p0 $0x5;
	s7 =	sadd.s32 s5, s4;
	s4 =	sadd.s32 $0x15C00, s3  }
0xf: {  	s12 =	sadd.s32 $0xFFFFFFFE, s6;
	s0 =	sadd.s32 s14, s0;
	s14 =	smax.u32 s23, $0x1  }
0x10: {  	s23 =	simm.s32 $0x5000;
	s8 =	smin.u32 s7, $0x25D;
	s0 =	smax.u32 s0, $0x25D  }
0x11: {  	s19 =	sshll.u32 s8, $0x6;
	s8 =	ssub.s32 s7, s8;
	s0 =	sshll.u32 s0, $0x9  }
.Ltmp0:
0x12: {  	s11 =	sadd.s32 s19, s3;
	s3 =	sadd.s32 s20, s3;
	(pc) =	sbr.rel .LBB2_1-.Ltmp0, $4  }
0x13: {  	s25 =	sshll.u32 s8, $0xB;
	s20 =	sadd.s32 $0xFFFB4A00, s0;
	s0 =	sadd.s32 $0xFFFB6E00, s0  }
0x14: {  	s19 =	simm.s32 $0x7;
	s24 =	sadd.s32 $0x2200, s11;
	s8 =	sadd.s32 $0xBE40, s11  }
0x15: {  	s9 =	sshra.s32 s25, $0x2;
	s13 =	sadd.s32 $0x20400, s3;
	s25 =	simm.s32 $0x3  }
0x16: {  	[dreg:$0x4] =	wrdreg s24;
	s11 =	sadd.s32 $0x200, s9;
	s24 =	simm.s32 $0x9000  }
.LBB2_8:
0x17: {  	_ =	swait.ge [sflag:s15], $0x4000  }
0x18: {  	s31 =	sadd.s32 $0x1, s31;
	[sflag:s15] =	ssyncset.done $0x0  }
0x19: {  	p0 =	sne.s32 s31, s14;
	[sflag:s15] =	ssyncadd.s32 $0xFFFFC000  }
.Ltmp1:
0x1a: {  	[bflag:$0x0] =	sbarrier.arrive $0xFFFF;
	(pc) =	sbr.rel @!p0 .LBB2_9-.Ltmp1, $4  }
0x1b: {  	[hbm:s13], [sflag:s21] =	dma.local [spmem:s1], $0xA00  }
0x1c: {  	_ =	swait.ge [sflag:s19], $0xA00  }
0x1d: {  	[sflag:s19] =	ssyncset.done $0x0  }
0x1e: {  	[sflag:s19] =	ssyncadd.s32 $0xFFFFF600  }
.LBB2_1:
0x1f: {  	s1 =	simm.s32 $0x0;
	s3 =	rddreg [dreg:$0x4]  }
0x20: {  	[tilespmem:s1], [sflag:$0x7] =	stream.linear.gather [hbm4b:s3+s1], $0x2800, $0x38;
	[tilespmem:$0x16000] =	vst v63  }
0x21: {  	_ =	swait.ge [sflag:s19], $0x2800  }
0x22: {  	[sflag:s19] =	ssyncset.done $0x0  }
0x23: {  	s17 =	simm.s32 $0x2800;
	[sflag:s19] =	ssyncadd.s32 $0xFFFFD800  }
0x24: {  	[tilespmem:s17], [sflag:$0x7] =	stream.linear.gather [hbm4b:s8+s1], $0x2800, $0x38;
	[tilespmem:$0x16000] =	vst v63  }
0x25: {  	_ =	swait.ge [sflag:s19], $0x2800  }
0x26: {  	[sflag:s19] =	ssyncset.done $0x0  }
0x27: {  	s1 =	sshrl.u32 s10, $0x3;
	s18 =	rddreg [dreg:$0x3];
	[sflag:s19] =	ssyncadd.s32 $0xFFFFD800  }
0x28: {  	[spmem:s1], [sflag:s21] =	dma.local [hbm:s18], $0xA00  }
0x29: {  	_ =	swait.ge [sflag:s19], $0xA00  }
0x2a: {  	[sflag:s19] =	ssyncset.done $0x0  }
.Ltmp2:
0x2b: {  	[sflag:s19] =	ssyncadd.s32 $0xFFFFF600;
	(pc) =	sbr.rel .LBB2_2-.Ltmp2, $4  }
0x2c: {  	[bflag:$0x0] =	sbarrier.arrive $0xFFFF  }
0x2d: {  	[tilespmem:s23], [sflag:$0x1] =	stream.indirect.gather [hbm4b:s4+s22], $0x20, s9, s22, $0xb8;
	[tilespmem:$0x16000] =	vst v63  }
0x2e: {  	s3 =	simm.s32 $0x0;
	s17 =	smov.u32 s20;
	s18 =	smov.u32 s0  }
0x2f: {  	[tilespmem:s24], [sflag:$0x2] =	stream.indirect.gather [hbm4b:s4+s22], $0x20, s11, s22, $0xb8;
	[tilespmem:$0x16000] =	vst v63  }
.LBB2_6:
0x30: {  	_ =	swait.ge [sflag:s25], $0x4000  }
0x31: {  	[sflag:s25] =	ssyncset.done $0x0  }
0x32: {  	[sflag:s25] =	ssyncadd.s32 $0xFFFFC000  }
0x33: {  	_ =	swait.ge [sflag:s26], $0x4000  }
0x34: {  	[sflag:s26] =	ssyncset.done $0x0  }
0x35: {  	p0 =	sge.u32 s3, s12;
	[sflag:s26] =	ssyncadd.s32 $0xFFFFC000  }
0x36: {  	[spmem:s2] =	stream.indirect.scatter.add.f32 [tilespmem:s28], [sflag:$0x6], $0x20, s18, s22, $0xb8;
	[tilespmem:$0x16000] =	vst v63  }
0x37: {  	s5 =	simm.s32 @!p0 $0x200;
	s7 =	simm.s32 @!p0 $0x9000  }
0x38: {  	[tilespmem:s7], [sflag:$0x2] =	stream.indirect.gather @!p0 [hbm4b:s4+s5], $0x20, s17, s5, $0xb8;
	[tilespmem:$0x16000] =	vst v63  }
.LBB2_7:
0x39: {  	s3 =	sadd.s32 $0x1, s3  }
0x3a: {  	p0 =	sne.s32 s6, s3  }
.Ltmp3:
0x3b: {  	_ = 	snop;
	(pc) =	sbr.rel @!p0 .LBB2_8-.Ltmp3, $2  }
0x3c: {  	_ =	sdelay $0x2  }
0x3d: {  	s17 =	sadd.s32 $0x200, s17;
	s18 =	sadd.s32 $0x200, s18  }
.LBB2_2:
0x3e: {  	s5 =	smulhi.u32 $0xAAAAAAAB, s3;
	_ =	sdelay $0x1  }
0x3f: {  	s5 =	sshrl.u32 s5, $0x1  }
0x40: {  	s5 =	smul.u32 $0xFFFFFFFD, s5;
	_ =	sdelay $0x1  }
0x41: {  	s5 =	sadd.s32 s5, s3  }
0x42: {  	p0 =	seq.s32 s5, $0x2  }
.Ltmp4:
0x43: {  	_ = 	snop;
	(pc) =	sbr.rel @p0 .LBB2_6-.Ltmp4, $1  }
0x44: {  	_ =	sdelay $0x3  }
0x45: {  	p0 =	seq.s32 s5, $0x1  }
.Ltmp5:
0x46: {  	_ = 	snop;
	(pc) =	sbr.rel @!p0 .LBB2_4-.Ltmp5, $1  }
0x47: {  	_ =	sdelay $0x3  }
0x48: {  	_ =	swait.ge [sflag:s29], $0x4000  }
0x49: {  	[sflag:s29] =	ssyncset.done $0x0  }
0x4a: {  	[sflag:s29] =	ssyncadd.s32 $0xFFFFC000  }
0x4b: {  	_ =	swait.ge [sflag:s16], $0x4000  }
.Ltmp6:
0x4c: {  	[sflag:s16] =	ssyncset.done $0x0;
	(pc) =	sbr.rel .LBB2_7-.Ltmp6, $4  }
0x4d: {  	p0 =	sge.u32 s3, s12;
	[sflag:s16] =	ssyncadd.s32 $0xFFFFC000  }
0x4e: {  	[spmem:s2] =	stream.indirect.scatter.add.f32 [tilespmem:s24], [sflag:$0x5], $0x20, s18, s22, $0xb8;
	[tilespmem:$0x16000] =	vst v63  }
0x4f: {  	s5 =	simm.s32 @!p0 $0x200;
	s7 =	simm.s32 @!p0 $0x5000  }
0x50: {  	[tilespmem:s7], [sflag:$0x1] =	stream.indirect.gather @!p0 [hbm4b:s4+s5], $0x20, s17, s5, $0xb8;
	[tilespmem:$0x16000] =	vst v63  }
.LBB2_4:
0x51: {  	_ =	swait.ge [sflag:s30], $0x4000  }
0x52: {  	p0 =	seq.s32 s3, $0x0;
	[sflag:s30] =	ssyncset.done $0x0  }
0x53: {  	s5 =	simm.s32 @!p0 $0x6;
	[sflag:s30] =	ssyncadd.s32 $0xFFFFC000  }
0x54: {  	_ =	swait.ge @!p0 [sflag:s5], $0x4000  }
.Ltmp7:
0x55: {  	[sflag:s5] =	ssyncset.done @!p0 $0x0;
	(pc) =	sbr.rel .LBB2_7-.Ltmp7, $4  }
0x56: {  	[sflag:s5] =	ssyncadd.s32 @!p0 $0xFFFFC000;
	p0 =	sge.u32 s3, s12  }
0x57: {  	[spmem:s2] =	stream.indirect.scatter.add.f32 [tilespmem:s23], [sflag:$0x4], $0x20, s18, s22, $0xb8;
	[tilespmem:$0x16000] =	vst v63  }
0x58: {  	s5 =	simm.s32 @!p0 $0x200;
	s7 =	simm.s32 @!p0 $0xD000  }
0x59: {  	[tilespmem:s7], [sflag:$0x3] =	stream.indirect.gather @!p0 [hbm4b:s4+s5], $0x20, s17, s5, $0xb8;
	[tilespmem:$0x16000] =	vst v63  }
.LBB2_9:
0x5a: {  	_ =	sfence.sel $0x180000  }
0x5b: {  	[bflag:$0x0] =	sbarrier.arrive $0xFFFF  }
0x5c: {  	_ =	strace $0x9000004D  }
0x5d: {  	s0 =	stileid.u32;
	[bflag:$0x2] =	sbarrier.arrive $0xFFFF  }
0x5e: {  	p0 =	sne.s32 s0, $0x0;
	s0 =	rddreg [dreg:$0x2]  }
0x5f: {  	s0 =	sadd.s32 @!p0 $0x100000, s0  }
0x60: {  	[sflag:s0] =	ssyncadd.tile.s32 @!p0 $0x1;
	_ =	shalt  }
.Lfunc_end2:
_tile_overlayer_lowered:
.L_overlay_start_2:
0x61: {  	(tag) =	ssettag $0x2  }
0x62: {  	s0 =	rddreg [dreg:$0x0];
	s2 =	stileid.u32  }
0x63: {  	s1 =	rddreg [dreg:$0x1];
	p0 =	sne.s32 s2, $0x0  }
0x64: {  	s3 =	rddreg [dreg:$0x2];
	[bflag:$0x3] =	sbarrier.arrive $0xFFFF;
	s2 =	simm.s32 @!p0 $0x1C07  }
0x65: {  	[timem:s3], [sflag:s2] =	dma.local @!p0 [hbm:s0], s1  }
0x66: {  	s0 =	simm.s32 @!p0 $0x7  }
0x67: {  	_ =	swait.ge @!p0 [sflag:s0], s1  }
0x68: {  	s1 =	ssub.s32 @!p0 $0x0, s1;
	[sflag:s0] =	ssyncset.done @!p0 $0x0  }
0x69: {  	[sflag:s0] =	ssyncadd.s32 @!p0 s1  }
0x6a: {  	[bflag:$0x3] =	sbarrier.arrive $0xFFFF  }
0x6b: {  	_ =	shalt  }

// kernel: kernel.9.cloned.1.call-start
scs
__scs_entry_jumppad:
0x0: {  	(pc) =	sbr.rel $0x88, $3  }
0x1: {  	(tag) =	ssettag $0x0;
	lr =	simm.s32 $0x1  }
0x2: {  	[smem:$0x3F99] =	sst lr;
	_ =	strace $0xD0000000  }
0x3: {  	_ = 	snop  }
0x4: {  	_ = 	snop  }
0x5: {  	_ = 	snop  }
0x6: {  	_ = 	snop  }
0x7: {  	_ = 	snop  }
__scs_overlays_trampoline_lowered:
0x8: {  	[smem:$0x3FA8] =	sst s0  }
0x9: {  	[smem:$0x3FA9] =	sst s1  }
0xa: {  	[smem:$0x3FAA] =	sst s2  }
0xb: {  	[smem:$0x3FAB] =	sst s3  }
0xc: {  	[smem:$0x3FAC] =	sst s4  }
0xd: {  	[smem:$0x3FAD] =	sst s5  }
0xe: {  	[smem:$0x3FAE] =	sst s6  }
0xf: {  	[smem:$0x3FAF] =	sst s7  }
0x10: {  	[smem:$0x3FB0] =	sst s8  }
0x11: {  	[smem:$0x3FB1] =	sst s9;
	s0 =	simm.s32 @!p0 $0x0  }
0x12: {  	s1 =	sld [smem:$0x3F97];
	s0 =	simm.s32 @p0 $0x1  }
0x13: {  	[smem:$0x3FB2] =	sst s0;
	s0 =	simm.s32 @!p1 $0x0  }
0x14: {  	s2 =	sld [smem:$0x3F96];
	s0 =	simm.s32 @p1 $0x1  }
0x15: {  	[smem:$0x3FB3] =	sst s0;
	s0 =	simm.s32 @!p2 $0x0  }
0x16: {  	s3 =	sld [smem:$0x3FDB];
	s0 =	simm.s32 @p2 $0x1  }
0x17: {  	s4 =	simm.s32 $0x1BF5;
	[smem:$0x3FB5] =	sst s0  }
0x18: {  	s0 =	sld [smem:$0x3F98];
	_ =	swait.ge [sflag:s4], $0x0  }
0x19: {  	s7 =	sld [smem:$0x3F99]  }
0x1a: {  	s8 =	sadd.s32 $0xFFFFE003, lr  }
0x1b: {  	s9 =	sadd.s32 $0xFFFFFEF7, lr;
	s5 =	simm.s32 $0xFFFFFFFF;
	p2 =	slt.u32 s8, $0xFFFFF086  }
0x1c: {  	p1 =	slt.u32 s9, $0xF7A;
	s5 =	simm.s32 @!p2 $0x0  }
0x1d: {  	s5 =	simm.s32 @p1 $0x1;
	p0 =	seq.s32 s7, s2  }
0x1e: {  	s7 =	smul.u32 @!p0 $0xF7A, s2;
	p2 =	seq.s32 @!p0 s5, $0x0  }
0x1f: {  	s9 =	smul.u32 $0xF7A, s1;
	s8 =	simm.s32 @!p0 $0x1BF5;
	p2 =	por !p2, p0  }
0x20: {  	[sflag:s8] =	ssyncset.s32 @!p0 $0xFFFFF086;
	s6 =	sadd.s32 @!p0 s3, s7;
	s7 =	simm.s32 @!p0 $0x108  }
0x21: {  	s3 =	sadd.s32 s3, s9;
	s6 =	sadd.s32 @!p0 $0x88, s6;
	s7 =	simm.s32 @p2 $0x1082  }
0x22: {  	[simem:s7], [sflag:s8] =	dma.local @!p0 [hbm:s6], $0xF7A  }
0x23: {  	s9 =	sor.u32 $0xD0000000, s2;
	s6 =	simm.s32 $0x108;
	_ =	swait.ge @!p0 [sflag:s8], $0x0  }
0x24: {  	s3 =	sadd.s32 $0x88, s3;
	s6 =	simm.s32 @!p1 $0x1082;
	[sflag:s4] =	ssyncset.s32 $0xFFFFF086  }
0x25: {  	[simem:s6], [sflag:s4] =	dma.local [hbm:s3], $0xF7A  }
0x26: {  	[smem:$0x3F99] =	sst s1;
	(tag) =	ssettag s2;
	_ =	strace s9  }
0x27: {  	s1 =	sld [smem:$0x3FA9]  }
0x28: {  	s2 =	sld [smem:$0x3FAA]  }
0x29: {  	s4 =	sld [smem:$0x3FAC]  }
0x2a: {  	p0 =	seq.s32 s5, $0x0;
	s5 =	sld [smem:$0x3FAD]  }
0x2b: {  	s6 =	sld [smem:$0x3FAE]  }
0x2c: {  	s7 =	sld [smem:$0x3FAF]  }
0x2d: {  	s3 =	simm.s32 $0x108;
	s8 =	sld [smem:$0x3FB0]  }
0x2e: {  	s3 =	simm.s32 @!p0 $0x1082;
	s9 =	sld [smem:$0x3FB1]  }
0x2f: {  	lr =	sadd.s32 s0, s3;
	s0 =	sld [smem:$0x3FA8]  }
0x30: {  	s3 =	sld [smem:$0x3FAB]  }
0x31: {  	[smem:$0x3FB4] =	sst s10  }
0x32: {  	s10 =	sld [smem:$0x3FB2];
	_ =	sdelay $0x3  }
0x33: {  	p0 =	seq.s32 s10, $0x1;
	s10 =	sld [smem:$0x3FB4];
	_ =	sdelay $0x3  }
0x34: {  	[smem:$0x3FB4] =	sst s10  }
0x35: {  	s10 =	sld [smem:$0x3FB3];
	_ =	sdelay $0x3  }
0x36: {  	p1 =	seq.s32 s10, $0x1;
	s10 =	sld [smem:$0x3FB4];
	_ =	sdelay $0x3  }
0x37: {  	[smem:$0x3FB4] =	sst s10  }
0x38: {  	s10 =	sld [smem:$0x3FB5]  }
0x39: {  	_ = 	snop;
	(pc) =	sbr.ind lr, $3  }
0x3a: {  	_ = 	snop  }
0x3b: {  	_ = 	snop  }
0x3c: {  	p2 =	seq.s32 s10, $0x1;
	s10 =	sld [smem:$0x3FB4]  }
0x3d: {  	_ =	shalt  }
0x3e: {  	_ =	shalt  }
0x3f: {  	_ =	shalt  }
0x40: {  	_ =	shalt  }
0x41: {  	_ =	shalt  }
0x42: {  	_ =	shalt  }
0x43: {  	_ =	shalt  }
0x44: {  	_ =	shalt  }
0x45: {  	_ =	shalt  }
0x46: {  	_ =	shalt  }
0x47: {  	_ =	shalt  }
0x48: {  	_ =	shalt  }
0x49: {  	_ =	shalt  }
0x4a: {  	_ =	shalt  }
0x4b: {  	_ =	shalt  }
0x4c: {  	_ =	shalt  }
0x4d: {  	_ =	shalt  }
0x4e: {  	_ =	shalt  }
0x4f: {  	_ =	shalt  }
0x50: {  	_ =	shalt  }
0x51: {  	_ =	shalt  }
0x52: {  	_ =	shalt  }
0x53: {  	_ =	shalt  }
0x54: {  	_ =	shalt  }
0x55: {  	_ =	shalt  }
0x56: {  	_ =	shalt  }
0x57: {  	_ =	shalt  }
0x58: {  	_ =	shalt  }
0x59: {  	_ =	shalt  }
0x5a: {  	_ =	shalt  }
0x5b: {  	_ =	shalt  }
0x5c: {  	_ =	shalt  }
0x5d: {  	_ =	shalt  }
0x5e: {  	_ =	shalt  }
0x5f: {  	_ =	shalt  }
0x60: {  	_ =	shalt  }
0x61: {  	_ =	shalt  }
0x62: {  	_ =	shalt  }
0x63: {  	_ =	shalt  }
0x64: {  	_ =	shalt  }
0x65: {  	_ =	shalt  }
0x66: {  	_ =	shalt  }
0x67: {  	_ =	shalt  }
0x68: {  	_ =	shalt  }
0x69: {  	_ =	shalt  }
0x6a: {  	_ =	shalt  }
0x6b: {  	_ =	shalt  }
0x6c: {  	_ =	shalt  }
0x6d: {  	_ =	shalt  }
0x6e: {  	_ =	shalt  }
0x6f: {  	_ =	shalt  }
0x70: {  	_ =	shalt  }
0x71: {  	_ =	shalt  }
0x72: {  	_ =	shalt  }
0x73: {  	_ =	shalt  }
0x74: {  	_ =	shalt  }
0x75: {  	_ =	shalt  }
0x76: {  	_ =	shalt  }
0x77: {  	_ =	shalt  }
0x78: {  	_ =	shalt  }
0x79: {  	_ =	shalt  }
0x7a: {  	_ =	shalt  }
0x7b: {  	_ =	shalt  }
0x7c: {  	_ =	shalt  }
0x7d: {  	_ =	shalt  }
0x7e: {  	_ =	shalt  }
0x7f: {  	_ =	shalt  }
0x80: {  	_ =	shalt  }
0x81: {  	_ =	shalt  }
0x82: {  	_ =	shalt  }
0x83: {  	_ =	shalt  }
0x84: {  	_ =	shalt  }
0x85: {  	_ =	shalt  }
0x86: {  	_ =	shalt  }
0x87: {  	_ =	shalt  }
.Lfunc_end0:
.L_simem_size_0:
called_computation_lowered:
.L_overlay_start_0:
0x88: {  	s2 =	sld [smem:$0x3FD9]  }
0x89: {  	s3 =	sld [smem:$0x3FFE];
	_ =	sdelay $0x1  }
0x8a: {  	s1 =	srdreg.scid  }
0x8b: {  	s0 =	sand.u32 $0x1, s1  }
0x8c: {  	s16 =	sshll.u32 s0, $0xA;
	s2 =	sadd.s32 s3, s2  }
0x8d: {  	s2 =	sadd.s32 s2, s16  }
0x8e: {  	[smem:$0x3FC0] =	sst s2  }
0x8f: {  	_ = 	snop  }
0x90: {  	(tm) =	ssettm $0x1  }
0x91: {  	s17 =	sld [smem:$0x3FFB];
	_ =	sdelay $0x3  }
0x92: {  	_ =	strace s17  }
0x93: {  	s2 =	sld [smem:$0x3FFC];
	_ =	sdelay $0x3  }
0x94: {  	_ =	strace s2  }
0x95: {  	s2 =	sld [smem:$0x3FFD];
	_ =	sdelay $0x3  }
0x96: {  	_ =	strace s2  }
0x97: {  	_ =	strace $0x8FFFFFFF  }
0x98: {  	s18 =	sld [smem:$0x3FDB];
	_ =	sdelay $0x1  }
0x99: {  	s19 =	simm.s32 $_scs_section_size  }
0x9a: {  	s4 =	simm.s32 $_size__tile_overlayer_lowered;
	s5 =	simm.s32 $_tile_overlayer_lowered  }
0x9b: {  	s22 =	simm.s32 $0x1BFF;
	s21 =	sshll.u32 s5, $0x1;
	s2 =	sadd.s32 s19, s18  }
0x9c: {  	s6 =	simm.s32 $0x0;
	s20 =	sshll.u32 s4, $0x1;
	s4 =	sadd.s32 s21, s2  }
0x9d: {  	[timem:s6], [sflag:s22] =	dma.local [hbm:s4], s20  }
0x9e: {  	_ =	swait.ge [sflag:s22], s20  }
0x9f: {  	s3 =	ssub.s32 $0x0, s20;
	[sflag:s22] =	ssyncset.done $0x0  }
0xa0: {  	[sflag:s22] =	ssyncadd.s32 s3;
	_ =	sdelay $0x1  }
0xa1: {  	s23 =	simm.s32 $0x1B8B  }
0xa2: {  	_ =	swait.ge [sflag:s23], $0x1  }
0xa3: {  	[sflag:s23] =	ssyncset.done $0x0  }
0xa4: {  	s25 =	simm.s32 $0x1B8E;
	s24 =	sld [smem:$0x3FFE];
	[sflag:s23] =	ssyncadd.s32 $0xFFFFFFFF  }
0xa5: {  	s26 =	simm.s32 $execute0_lowered;
	[smem:$0x3FD2] =	sst s25  }
0xa6: {  	s4 =	sshll.u32 s26, $0x1;
	_ =	strace $0x80000046;
	[dreg:$0x1] =	wrdreg $0xFFFFFFFF  }
0xa7: {  	s28 =	simm.s32 $_size_execute0_lowered;
	s2 =	sadd.s32 s2, s4;
	[dreg:$0x0] =	wrdreg $0x0  }
0xa8: {  	s4 =	sshll.u32 s28, $0x1;
	[dreg:$0x2] =	wrdreg s2  }
0xa9: {  	[dreg:$0x3] =	wrdreg s4  }
0xaa: {  	[dreg:$0x4] =	wrdreg $0xC0  }
0xab: {  	_ =	task [dreg:s6], $0x5FFFF  }
0xac: {  	[dreg:$0x1] =	wrdreg $0xFFFFFFFF  }
0xad: {  	[dreg:$0x0] =	wrdreg $0x60  }
0xae: {  	[dreg:$0x2] =	wrdreg s24  }
0xaf: {  	[dreg:$0x3] =	wrdreg $0x48000  }
0xb0: {  	[dreg:$0x4] =	wrdreg $0x9  }
0xb1: {  	_ =	task.clear_ibuf [dreg:s6], $0x5FFFF;
	_ =	strace $0x90000046  }
0xb2: {  	s29 =	simm.s32 $0x9;
	_ =	strace $0x80000048  }
0xb3: {  	_ =	swait.ge [sflag:s29], $0x1  }
0xb4: {  	[sflag:s29] =	ssyncadd.s32 $0xFFFFFFFF  }
0xb5: {  	_ =	strace $0x90000048  }
0xb6: {  	_ =	sfence  }
0xb7: {  	s30 =	sld [smem:$0x0];
	_ =	sdelay $0x2  }
0xb8: {  	s31 =	sshll.u32 s1, $0xD;
	s1 =	sshrl.u32 s1, $0x2  }
0xb9: {  	s3 =	sand.u32 $0x4000, s31;
	s1 =	sadd.s32 s1, s30  }
0xba: {  	s0 =	sor.u32 s3, s0;
	s1 =	sshll.u32 s1, $0x11  }
0xbb: {  	s0 =	sor.u32 s1, s0  }
0xbc: {  	s0 =	sadd.s32 $0x8F2B, s0  }
0xbd: {  	[sflag:s0] =	ssyncadd.remote.s32 $0x1  }
0xbe: {  	_ =	sfence.sel $0xFFFF  }
0xbf: {  	[dreg:$0x0] =	wrdreg $0xFFFFFFFF;
	(pc) =	sbr.abs _section_cstart, $3  }
0xc0: {  	[dreg:$0x1] =	wrdreg $0xFFFFFFFF  }
0xc1: {  	_ =	task.clear_ibuf [dreg:s6], $0x2FFFF;
	_ =	strace $0x9FFFFFFF  }
0xc2: {  	(tm) =	ssettm $0x7FFFFFFF  }
0xc3: {  	_ =	shalt  }
tec
execute0_lowered:
.L_overlay_start_1:
0x0: {  	(tag) =	ssettag $0x1  }
0x1: {  	s0 =	srdreg.scid  }
0x2: {  	s8 =	rddreg [dreg:$0x0];
	s6 =	sand.u32 $0x1, s0;
	s0 =	stileid.u32  }
0x3: {  	s2 =	rddreg [dreg:$0x1];
	s10 =	smul.u32 $0x2800, s0  }
0x4: {  	s3 =	simm.s32 $0x0;
	s16 =	simm.s32 $0x0;
	s11 =	smul.u32 $0x28000, s6  }
0x5: {  	s1 =	sshll.u32 s6, $0x4;
	s13 =	ssub.s32 $0x2, s6;
	s6 =	smul.u32 $0x130, s6  }
0x6: {  	[smem:$0x7FF] =	sst s3;
	s5 =	sadd.s32 $0x15C00, s8;
	s15 =	smul.u32 $0x13, s0  }
0x7: {  	s31 =	sshll.u32 s0, $0x6;
	s7 =	sor.u32 s0, s1;
	s1 =	rddreg [dreg:$0x2]  }
0x8: {  	_ =	strace $0x80000047;
	s14 =	sshrl.u32 s13, $0x1;
	s4 =	smul.u32 $0x13, s7  }
0x9: {  	s9 =	smin.u32 s7, $0x11;
	s11 =	sadd.s32 s10, s11;
	s28 =	ssub.s32 s13, s14  }
0xa: {  	p0 =	slt.u32 s7, $0x11;
	s29 =	sadd.s32 s10, s2;
	s13 =	sor.u32 $0x1C01, s31  }
0xb: {  	s11 =	sshrl.u32 s11, $0x3;
	s14 =	sshrl.u32 s29, $0x3;
	s4 =	sadd.s32 s9, s4  }
0xc: {  	s9 =	sadd.s32 s6, s9;
	s6 =	simm.s32 $0x14;
	s4 =	smin.u32 s4, $0x25D  }
0xd: {  	s9 =	sadd.s32 s15, s9;
	s6 =	simm.s32 @!p0 $0x13;
	s4 =	sshll.u32 s4, $0x6  }
0xe: {  	s15 =	simm.s32 $0x200;
	s9 =	smax.u32 s9, $0x25D;
	s12 =	sadd.s32 s4, s8  }
0xf: {  	s4 =	sadd.s32 $0x16200, s8;
	s8 =	sadd.s32 s11, s8;
	s30 =	sshll.u32 s9, $0x9  }
0x10: {  	s9 =	smax.u32 s28, $0x1;
	s11 =	simm.s32 $0x1;
	s7 =	sadd.s32 $0xBE40, s12  }
0x11: {  	s8 =	sadd.s32 $0x16600, s8;
	s10 =	sadd.s32 $0xFFFB4600, s30;
	s12 =	simm.s32 $0x2800  }
.LBB2_1:
0x12: {  	[tilespmem:s3], [sflag:$0x1] =	stream.linear.gather [hbm4b:s7+s3], $0x2800, $0x38;
	[tilespmem:$0x7000] =	vst v63  }
0x13: {  	_ =	swait.ge [sflag:s11], $0x2800  }
0x14: {  	[sflag:s11] =	ssyncset.done $0x0  }
0x15: {  	[sflag:s11] =	ssyncadd.s32 $0xFFFFD800  }
0x16: {  	[tilespmem:s12], [sflag:$0x1] =	stream.linear.gather [hbm4b:s4+s3], $0x2000, $0x38;
	[tilespmem:$0x7000] =	vst v63  }
0x17: {  	_ =	swait.ge [sflag:s11], $0x2000  }
0x18: {  	[sflag:s11] =	ssyncset.done $0x0  }
0x19: {  	[sflag:s11] =	ssyncadd.s32 $0xFFFFE000  }
0x1a: {  	[spmem:s14], [sflag:s13] =	dma.local [hbm:s5], $0x500  }
0x1b: {  	_ =	swait.ge [sflag:s11], $0x500  }
0x1c: {  	p0 =	sne.s32 s6, $0x1;
	[sflag:s11] =	ssyncset.done $0x0  }
.Ltmp0:
0x1d: {  	[sflag:s11] =	ssyncadd.s32 $0xFFFFFB00;
	(pc) =	sbr.rel @!p0 .LBB2_3-.Ltmp0, $4  }
0x1e: {  	[bflag:$0x0] =	sbarrier.arrive $0xFFFF  }
0x1f: {  	[spmem:s2] =	stream.indirect.scatter.add.f32 [tilespmem:s12], [sflag:$0x1], $0x10, s10, s15, $0xb8;
	[tilespmem:$0x7000] =	vst v63  }
0x20: {  	_ =	swait.ge [sflag:s11], $0x2000  }
0x21: {  	s17 =	sadd.s32 $0xFFFFFFFF, s6;
	s18 =	smov.u32 s10;
	[sflag:s11] =	ssyncset.done $0x0  }
.LBB2_2:
0x22: {  	p0 =	sne.s32 s17, $0x1;
	[sflag:s11] =	ssyncadd.s32 $0xFFFFE000;
	s18 =	sadd.s32 $0x200, s18  }
.Ltmp1:
0x23: {  	s17 =	sadd.s32 $0xFFFFFFFF, s17;
	(pc) =	sbr.rel @p0 .LBB2_2-.Ltmp1, $4  }
0x24: {  	_ = 	snop  }
0x25: {  	[spmem:s2] =	stream.indirect.scatter.add.f32 [tilespmem:s12], [sflag:$0x1], $0x10, s18, s15, $0xb8;
	[tilespmem:$0x7000] =	vst v63  }
0x26: {  	_ =	swait.ge [sflag:s11], $0x2000  }
0x27: {  	[sflag:s11] =	ssyncset.done $0x0  }
.LBB2_3:
0x28: {  	s16 =	sadd.s32 $0x1, s16  }
0x29: {  	[sflag:s11] =	ssyncadd.s32 $0xFFFFE000;
	p0 =	sne.s32 s16, s9  }
.Ltmp2:
0x2a: {  	[bflag:$0x0] =	sbarrier.arrive $0xFFFF;
	(pc) =	sbr.rel @p0 .LBB2_1-.Ltmp2, $4  }
0x2b: {  	[hbm:s8], [sflag:s13] =	dma.local [spmem:s14], $0x500  }
0x2c: {  	_ =	swait.ge [sflag:s11], $0x500  }
0x2d: {  	[sflag:s11] =	ssyncset.done $0x0  }
0x2e: {  	[sflag:s11] =	ssyncadd.s32 $0xFFFFFB00  }
0x2f: {  	_ =	sfence.sel $0x180000  }
0x30: {  	[bflag:$0x0] =	sbarrier.arrive $0xFFFF  }
0x31: {  	p0 =	sne.s32 s0, $0x0;
	_ =	strace $0x90000047  }
0x32: {  	s0 =	sadd.s32 @!p0 $0x100000, s1;
	[bflag:$0x2] =	sbarrier.arrive $0xFFFF  }
0x33: {  	[sflag:s0] =	ssyncadd.tile.s32 @!p0 $0x1;
	_ =	shalt  }
.Lfunc_end2:
_tile_overlayer_lowered:
.L_overlay_start_2:
0x34: {  	(tag) =	ssettag $0x2  }
0x35: {  	s0 =	rddreg [dreg:$0x0];
	s2 =	stileid.u32  }
0x36: {  	s1 =	rddreg [dreg:$0x1];
	p0 =	sne.s32 s2, $0x0  }
0x37: {  	s3 =	rddreg [dreg:$0x2];
	[bflag:$0x3] =	sbarrier.arrive $0xFFFF;
	s2 =	simm.s32 @!p0 $0x1C01  }
0x38: {  	[timem:s3], [sflag:s2] =	dma.local @!p0 [hbm:s0], s1  }
0x39: {  	s0 =	simm.s32 @!p0 $0x1  }
0x3a: {  	_ =	swait.ge @!p0 [sflag:s0], s1  }
0x3b: {  	s1 =	ssub.s32 @!p0 $0x0, s1;
	[sflag:s0] =	ssyncset.done @!p0 $0x0  }
0x3c: {  	[sflag:s0] =	ssyncadd.s32 @!p0 s1  }
0x3d: {  	[bflag:$0x3] =	sbarrier.arrive $0xFFFF  }
0x3e: {  	_ =	shalt  }

</sc_bundles>
